<compile_context>
chip_gen: v7x
topology: tpu7x:2x2x1
jax: 0.10.2.dev20260603
libtpu: 0.0.44.dev20260713+nightly
codegen_flags: <defaults>
</compile_context>

<pallas_src>
import functools

import jax
import jax.numpy as jnp
from jax import lax
from jax.experimental import pallas as pl
from jax.experimental.pallas import tpu as pltpu
from jax.experimental.pallas import tpu_sc as plsc

_N, _D, _K = 16384, 64, 4096
_BX = 512
_RT = 128

_NC, _NS = 2, 16
_NW = _NC * _NS
_RPW = _N // _NW
_CH = 128
_NCH = _RPW // _CH


_WINDOWS = ((0, 1408), (1408, 2816), (2816, 4096))


_L = 128


def _argmin_body(x_ref, x2_ref, c_ref, c2_ref, idx_ref, cb_ref):
    @pl.when(pl.program_id(0) == 0)
    def _():
        cb_ref[...] = c_ref[...].astype(jnp.bfloat16)

    xb = (x_ref[...] * 2.0).astype(jnp.bfloat16)
    m2 = lax.dot_general(xb, cb_ref[...], (((1,), (1,)), ((), ())),
                         preferred_element_type=jnp.float32)
    x2a = x2_ref[...][:, None]
    c2 = c2_ref[...]
    lane = lax.broadcasted_iota(jnp.int32, (_RT, _L), 1).astype(jnp.float32)
    for r in range(0, _BX, _RT):
        x2 = x2a[r:r + _RT]
        acc = None
        for (w0, w1) in _WINDOWS:
            vacc = None
            for k in range(w0 // _L, w1 // _L):
                dk = (x2 - m2[r:r + _RT, k * _L:(k + 1) * _L]) \
                    + c2[k * _L:(k + 1) * _L][None, :]
                if vacc is None:
                    vacc = dk
                    kidx = jnp.full((_RT, _L), float(k * _L), jnp.float32)
                else:
                    cmp = dk < vacc
                    vacc = jnp.where(cmp, dk, vacc)
                    kidx = jnp.where(cmp, jnp.float32(k * _L), kidx)
            vw = jnp.min(vacc, axis=-1)
            jc = jnp.where(vacc == vw[:, None], kidx + lane, jnp.float32(_K))
            kw = jnp.min(jc, axis=-1)
            vw_r = vw.astype(jnp.bfloat16).astype(jnp.float32)
            if acc is None:
                acc, ai = vw_r, kw
            else:
                win = vw < acc
                acc = jnp.where(win, vw_r, acc)
                ai = jnp.where(win, kw, ai)
        idx_ref[r:r + _RT] = ai.astype(jnp.int32)


def _compute_idx(x, x2, codebook, c2):
    return pl.pallas_call(
        _argmin_body,
        grid=(_N // _BX,),
        in_specs=[
            pl.BlockSpec((_BX, _D), lambda i: (i, 0)),
            pl.BlockSpec((_BX,), lambda i: (i,)),
            pl.BlockSpec((_K, _D), lambda i: (0, 0)),
            pl.BlockSpec((_K,), lambda i: (0,)),
        ],
        out_specs=pl.BlockSpec((_BX,), lambda i: (i,)),
        out_shape=jax.ShapeDtypeStruct((_N,), jnp.int32),
        scratch_shapes=[pltpu.VMEM((_K, _D), jnp.bfloat16)],
    )(x, x2, codebook, c2)


def _gather_rows(codebook, idx):
    mesh = plsc.VectorSubcoreMesh(core_axis_name="c", subcore_axis_name="s")

    @functools.partial(
        pl.kernel, mesh=mesh,
        out_type=jax.ShapeDtypeStruct((_N, _D), jnp.float32),
        scratch_types=[
            pltpu.VMEM((_RPW,), jnp.int32),
            pltpu.VMEM((_RPW, _D), jnp.float32),
            pltpu.SemaphoreType.DMA,
        ],
        compiler_params=pltpu.CompilerParams(use_tc_tiling_on_sc=False),
    )
    def gather_k(table_hbm, idx_hbm, out_hbm, idx_v, rows_v, sem):
        wid = lax.axis_index("s") * _NC + lax.axis_index("c")
        base = wid * _RPW
        pltpu.sync_copy(idx_hbm.at[pl.ds(base, _RPW)], idx_v)
        copies = [
            pltpu.async_copy(table_hbm.at[idx_v.at[pl.ds(j * _CH, _CH)]],
                             rows_v.at[pl.ds(j * _CH, _CH)], sem)
            for j in range(_NCH)
        ]
        for cp in copies:
            cp.wait()
        pltpu.sync_copy(rows_v, out_hbm.at[pl.ds(base, _RPW)])

    return gather_k(codebook, idx)


def kernel(x, codebook):
    x2 = jnp.sum(x * x, axis=-1, keepdims=True)[:, 0]
    c2 = jnp.sum(codebook * codebook, axis=-1)
    idx = _compute_idx(x, x2, codebook, c2)
    quantized = _gather_rows(codebook, idx)
    return quantized, idx

# --- scband reference (transcript-rebuilt; emitter-appended) ---
"""Pipeline reference for scband-vector-quantize-17222818857311 (READ-ONLY COPY).

The authoritative reference and input builder live on the scoring server;
editing this copy changes nothing except your own understanding.
"""

import jax, jax.numpy as jnp
import numpy as np


def _nearest_neighbor(x, codebook):
    # squared-euclidean nearest neighbor: ||x||^2 - 2 x c^T + ||c||^2
    x2 = jnp.sum(x * x, axis=-1, keepdims=True)
    c2 = jnp.sum(codebook * codebook, axis=-1)
    d = x2 - 2.0 * (x @ codebook.T) + c2[None, :]
    idx = jnp.argmin(d, axis=-1)
    min_dists = jnp.take_along_axis(d, idx[:, None], axis=-1)[:, 0]
    return min_dists, idx


def setup_inputs(seed: int = 0) -> dict:
    key = jax.random.key(seed)
    k1, k2 = jax.random.split(key)
    x = jax.random.normal(k1, (16384, 64), dtype=jnp.float32)
    # codebook param [codebook_size=4096, channels=64], kaiming-uniform-like init
    bound = float(np.sqrt(3.0 / 64.0))
    codebook = jax.random.uniform(k2, (4096, 64), minval=-bound, maxval=bound, dtype=jnp.float32)
    return {"x": x, "codebook": codebook}


def reference(x, codebook):
    # forward: nearestNeighbor on detached tensors, then gather from (non-detached) codebook
    min_dists, idx = _nearest_neighbor(jax.lax.stop_gradient(x), jax.lax.stop_gradient(codebook))
    quantized = jnp.take(codebook, idx, axis=0)
    return quantized, idx

if __name__ == "__main__":
    import jax
    _d = setup_inputs()
    print(jax.jit(kernel)(*tuple(_d.values())))

</pallas_src>

<mosaic_0001>
#map = affine_map<(d0, d1) -> (0, 0)>
#map1 = affine_map<(d0, d1) -> (0)>
module attributes {stable_mosaic.version = 14 : i64} {
  func.func @gather_k(%arg0: i32, %arg1: i32, %arg2: memref<4096x64xf32, #tpu.memory_space<hbm>>, %arg3: memref<16384xi32, #tpu.memory_space<hbm>>, %arg4: memref<16384x64xf32, #tpu.memory_space<hbm>>, %arg5: memref<512xi32, #tpu.memory_space<vmem>>, %arg6: memref<512x64xf32, #tpu.memory_space<vmem>>, %arg7: memref<!tpu.dma_semaphore, #tpu.memory_space<semaphore_mem>>) attributes {dimension_semantics = [#tpu.dimension_semantics<core_parallel>, #tpu.dimension_semantics<subcore_parallel>], iteration_bounds = array<i64: 2, 16>, scalar_prefetch = 0 : i64, scratch_operands = 3 : i64, tpu.core_type = #tpu.core_type<sc_vector_subcore>, window_params = [{transform_indices = #map}, {transform_indices = #map1}, {transform_indices = #map}]} {
    %mul3A = arith.constant 2 : i32
    %mul3A_0 = arith.muli %arg1, %mul3A : i32
    %add3A = arith.addi %mul3A_0, %arg0 : i32
    %mul3A_1 = arith.constant 512 : i32
    %mul3A_2 = arith.muli %add3A, %mul3A_1 : i32
    "tpu.region"() ({
      %run_scoped3A = tpu.sem_alloc : memref<!tpu.dma_semaphore, #tpu.memory_space<semaphore_mem>>
      %dma_start3A_65 = tpu.memref_slice %arg3[%mul3A_2] : memref<16384xi32, #tpu.memory_space<hbm>> -> memref<512xi32, #tpu.memory_space<hbm>>
      %dma_start3A_66 = tpu.memref_slice %arg3[%mul3A_2] : memref<16384xi32, #tpu.memory_space<hbm>> -> memref<512xi32, #tpu.memory_space<hbm>>
      tpu.enqueue_dma source(%dma_start3A_66 : memref<512xi32, #tpu.memory_space<hbm>>) target(%arg5 : memref<512xi32, #tpu.memory_space<vmem>>) target_semaphore(%run_scoped3A : memref<!tpu.dma_semaphore, #tpu.memory_space<semaphore_mem>>)
      %dma_wait3A_67 = tpu.memref_slice %arg3[%mul3A_2] : memref<16384xi32, #tpu.memory_space<hbm>> -> memref<512xi32, #tpu.memory_space<hbm>>
      %dma_wait3A_68 = tpu.memref_slice %arg3[%mul3A_2] : memref<16384xi32, #tpu.memory_space<hbm>> -> memref<512xi32, #tpu.memory_space<hbm>>
      tpu.wait_dma2 semaphore(%run_scoped3A : memref<!tpu.dma_semaphore, #tpu.memory_space<semaphore_mem>>) src(%dma_wait3A_68 : memref<512xi32, #tpu.memory_space<hbm>>) dst(%arg5 : memref<512xi32, #tpu.memory_space<vmem>>)
      tpu.yield
    }) : () -> ()
    %dma_start3A = arith.constant 0 : i32
    %dma_start3A_3 = arith.constant 0 : i32
    %dma_start3A_4 = tpu.memref_slice %arg6[%dma_start3A, %dma_start3A_3] : memref<512x64xf32, #tpu.memory_space<vmem>> -> memref<128x64xf32, #tpu.memory_space<vmem>>
    %dma_start3A_5 = arith.constant 0 : i32
    %dma_start3A_6 = tpu.memref_slice %arg5[%dma_start3A_5] : memref<512xi32, #tpu.memory_space<vmem>> -> memref<128xi32, #tpu.memory_space<vmem>>
    %dma_start3A_7 = arith.constant 0 : i32
    %dma_start3A_8 = arith.constant 0 : i32
    %dma_start3A_9 = tpu.memref_slice %arg2[%dma_start3A_7, %dma_start3A_8] : memref<4096x64xf32, #tpu.memory_space<hbm>> -> memref<4096x64xf32, #tpu.memory_space<hbm>>
    tpu.enqueue_indirect_dma source(%dma_start3A_9 : memref<4096x64xf32, #tpu.memory_space<hbm>>) target(%dma_start3A_4 : memref<128x64xf32, #tpu.memory_space<vmem>>) offsets(%dma_start3A_6 : memref<128xi32, #tpu.memory_space<vmem>>) semaphore(%arg7 : memref<!tpu.dma_semaphore, #tpu.memory_space<semaphore_mem>>)
    %dma_start3A_10 = arith.constant 128 : i32
    %dma_start3A_11 = arith.constant 0 : i32
    %dma_start3A_12 = tpu.memref_slice %arg6[%dma_start3A_10, %dma_start3A_11] : memref<512x64xf32, #tpu.memory_space<vmem>> -> memref<128x64xf32, #tpu.memory_space<vmem>>
    %dma_start3A_13 = arith.constant 128 : i32
    %dma_start3A_14 = tpu.memref_slice %arg5[%dma_start3A_13] : memref<512xi32, #tpu.memory_space<vmem>> -> memref<128xi32, #tpu.memory_space<vmem>>
    %dma_start3A_15 = arith.constant 0 : i32
    %dma_start3A_16 = arith.constant 0 : i32
    %dma_start3A_17 = tpu.memref_slice %arg2[%dma_start3A_15, %dma_start3A_16] : memref<4096x64xf32, #tpu.memory_space<hbm>> -> memref<4096x64xf32, #tpu.memory_space<hbm>>
    tpu.enqueue_indirect_dma source(%dma_start3A_17 : memref<4096x64xf32, #tpu.memory_space<hbm>>) target(%dma_start3A_12 : memref<128x64xf32, #tpu.memory_space<vmem>>) offsets(%dma_start3A_14 : memref<128xi32, #tpu.memory_space<vmem>>) semaphore(%arg7 : memref<!tpu.dma_semaphore, #tpu.memory_space<semaphore_mem>>)
    %dma_start3A_18 = arith.constant 256 : i32
    %dma_start3A_19 = arith.constant 0 : i32
    %dma_start3A_20 = tpu.memref_slice %arg6[%dma_start3A_18, %dma_start3A_19] : memref<512x64xf32, #tpu.memory_space<vmem>> -> memref<128x64xf32, #tpu.memory_space<vmem>>
    %dma_start3A_21 = arith.constant 256 : i32
    %dma_start3A_22 = tpu.memref_slice %arg5[%dma_start3A_21] : memref<512xi32, #tpu.memory_space<vmem>> -> memref<128xi32, #tpu.memory_space<vmem>>
    %dma_start3A_23 = arith.constant 0 : i32
    %dma_start3A_24 = arith.constant 0 : i32
    %dma_start3A_25 = tpu.memref_slice %arg2[%dma_start3A_23, %dma_start3A_24] : memref<4096x64xf32, #tpu.memory_space<hbm>> -> memref<4096x64xf32, #tpu.memory_space<hbm>>
    tpu.enqueue_indirect_dma source(%dma_start3A_25 : memref<4096x64xf32, #tpu.memory_space<hbm>>) target(%dma_start3A_20 : memref<128x64xf32, #tpu.memory_space<vmem>>) offsets(%dma_start3A_22 : memref<128xi32, #tpu.memory_space<vmem>>) semaphore(%arg7 : memref<!tpu.dma_semaphore, #tpu.memory_space<semaphore_mem>>)
    %dma_start3A_26 = arith.constant 384 : i32
    %dma_start3A_27 = arith.constant 0 : i32
    %dma_start3A_28 = tpu.memref_slice %arg6[%dma_start3A_26, %dma_start3A_27] : memref<512x64xf32, #tpu.memory_space<vmem>> -> memref<128x64xf32, #tpu.memory_space<vmem>>
    %dma_start3A_29 = arith.constant 384 : i32
    %dma_start3A_30 = tpu.memref_slice %arg5[%dma_start3A_29] : memref<512xi32, #tpu.memory_space<vmem>> -> memref<128xi32, #tpu.memory_space<vmem>>
    %dma_start3A_31 = arith.constant 0 : i32
    %dma_start3A_32 = arith.constant 0 : i32
    %dma_start3A_33 = tpu.memref_slice %arg2[%dma_start3A_31, %dma_start3A_32] : memref<4096x64xf32, #tpu.memory_space<hbm>> -> memref<4096x64xf32, #tpu.memory_space<hbm>>
    tpu.enqueue_indirect_dma source(%dma_start3A_33 : memref<4096x64xf32, #tpu.memory_space<hbm>>) target(%dma_start3A_28 : memref<128x64xf32, #tpu.memory_space<vmem>>) offsets(%dma_start3A_30 : memref<128xi32, #tpu.memory_space<vmem>>) semaphore(%arg7 : memref<!tpu.dma_semaphore, #tpu.memory_space<semaphore_mem>>)
    %dma_wait3A = arith.constant 0 : i32
    %dma_wait3A_34 = arith.constant 0 : i32
    %dma_wait3A_35 = tpu.memref_slice %arg6[%dma_wait3A, %dma_wait3A_34] : memref<512x64xf32, #tpu.memory_space<vmem>> -> memref<128x64xf32, #tpu.memory_space<vmem>>
    %dma_wait3A_36 = arith.constant 0 : i32
    %dma_wait3A_37 = tpu.memref_slice %arg5[%dma_wait3A_36] : memref<512xi32, #tpu.memory_space<vmem>> -> memref<128xi32, #tpu.memory_space<vmem>>
    %dma_wait3A_38 = arith.constant 0 : i32
    %dma_wait3A_39 = arith.constant 0 : i32
    %dma_wait3A_40 = tpu.memref_slice %arg2[%dma_wait3A_38, %dma_wait3A_39] : memref<4096x64xf32, #tpu.memory_space<hbm>> -> memref<4096x64xf32, #tpu.memory_space<hbm>>
    tpu.wait_indirect_dma semaphore(%arg7 : memref<!tpu.dma_semaphore, #tpu.memory_space<semaphore_mem>>) src(%dma_wait3A_40 : memref<4096x64xf32, #tpu.memory_space<hbm>>) dst(%dma_wait3A_35 : memref<128x64xf32, #tpu.memory_space<vmem>>)
    %dma_wait3A_41 = arith.constant 128 : i32
    %dma_wait3A_42 = arith.constant 0 : i32
    %dma_wait3A_43 = tpu.memref_slice %arg6[%dma_wait3A_41, %dma_wait3A_42] : memref<512x64xf32, #tpu.memory_space<vmem>> -> memref<128x64xf32, #tpu.memory_space<vmem>>
    %dma_wait3A_44 = arith.constant 128 : i32
    %dma_wait3A_45 = tpu.memref_slice %arg5[%dma_wait3A_44] : memref<512xi32, #tpu.memory_space<vmem>> -> memref<128xi32, #tpu.memory_space<vmem>>
    %dma_wait3A_46 = arith.constant 0 : i32
    %dma_wait3A_47 = arith.constant 0 : i32
    %dma_wait3A_48 = tpu.memref_slice %arg2[%dma_wait3A_46, %dma_wait3A_47] : memref<4096x64xf32, #tpu.memory_space<hbm>> -> memref<4096x64xf32, #tpu.memory_space<hbm>>
    tpu.wait_indirect_dma semaphore(%arg7 : memref<!tpu.dma_semaphore, #tpu.memory_space<semaphore_mem>>) src(%dma_wait3A_48 : memref<4096x64xf32, #tpu.memory_space<hbm>>) dst(%dma_wait3A_43 : memref<128x64xf32, #tpu.memory_space<vmem>>)
    %dma_wait3A_49 = arith.constant 256 : i32
    %dma_wait3A_50 = arith.constant 0 : i32
    %dma_wait3A_51 = tpu.memref_slice %arg6[%dma_wait3A_49, %dma_wait3A_50] : memref<512x64xf32, #tpu.memory_space<vmem>> -> memref<128x64xf32, #tpu.memory_space<vmem>>
    %dma_wait3A_52 = arith.constant 256 : i32
    %dma_wait3A_53 = tpu.memref_slice %arg5[%dma_wait3A_52] : memref<512xi32, #tpu.memory_space<vmem>> -> memref<128xi32, #tpu.memory_space<vmem>>
    %dma_wait3A_54 = arith.constant 0 : i32
    %dma_wait3A_55 = arith.constant 0 : i32
    %dma_wait3A_56 = tpu.memref_slice %arg2[%dma_wait3A_54, %dma_wait3A_55] : memref<4096x64xf32, #tpu.memory_space<hbm>> -> memref<4096x64xf32, #tpu.memory_space<hbm>>
    tpu.wait_indirect_dma semaphore(%arg7 : memref<!tpu.dma_semaphore, #tpu.memory_space<semaphore_mem>>) src(%dma_wait3A_56 : memref<4096x64xf32, #tpu.memory_space<hbm>>) dst(%dma_wait3A_51 : memref<128x64xf32, #tpu.memory_space<vmem>>)
    %dma_wait3A_57 = arith.constant 384 : i32
    %dma_wait3A_58 = arith.constant 0 : i32
    %dma_wait3A_59 = tpu.memref_slice %arg6[%dma_wait3A_57, %dma_wait3A_58] : memref<512x64xf32, #tpu.memory_space<vmem>> -> memref<128x64xf32, #tpu.memory_space<vmem>>
    %dma_wait3A_60 = arith.constant 384 : i32
    %dma_wait3A_61 = tpu.memref_slice %arg5[%dma_wait3A_60] : memref<512xi32, #tpu.memory_space<vmem>> -> memref<128xi32, #tpu.memory_space<vmem>>
    %dma_wait3A_62 = arith.constant 0 : i32
    %dma_wait3A_63 = arith.constant 0 : i32
    %dma_wait3A_64 = tpu.memref_slice %arg2[%dma_wait3A_62, %dma_wait3A_63] : memref<4096x64xf32, #tpu.memory_space<hbm>> -> memref<4096x64xf32, #tpu.memory_space<hbm>>
    tpu.wait_indirect_dma semaphore(%arg7 : memref<!tpu.dma_semaphore, #tpu.memory_space<semaphore_mem>>) src(%dma_wait3A_64 : memref<4096x64xf32, #tpu.memory_space<hbm>>) dst(%dma_wait3A_59 : memref<128x64xf32, #tpu.memory_space<vmem>>)
    "tpu.region"() ({
      %run_scoped3A = tpu.sem_alloc : memref<!tpu.dma_semaphore, #tpu.memory_space<semaphore_mem>>
      %dma_start3A_65 = arith.constant 0 : i32
      %dma_start3A_66 = tpu.memref_slice %arg4[%mul3A_2, %dma_start3A_65] : memref<16384x64xf32, #tpu.memory_space<hbm>> -> memref<512x64xf32, #tpu.memory_space<hbm>>
      %dma_start3A_67 = arith.constant 0 : i32
      %dma_start3A_68 = tpu.memref_slice %arg4[%mul3A_2, %dma_start3A_67] : memref<16384x64xf32, #tpu.memory_space<hbm>> -> memref<512x64xf32, #tpu.memory_space<hbm>>
      tpu.enqueue_dma source(%arg6 : memref<512x64xf32, #tpu.memory_space<vmem>>) target(%dma_start3A_68 : memref<512x64xf32, #tpu.memory_space<hbm>>) target_semaphore(%run_scoped3A : memref<!tpu.dma_semaphore, #tpu.memory_space<semaphore_mem>>)
      %dma_wait3A_69 = arith.constant 0 : i32
      %dma_wait3A_70 = tpu.memref_slice %arg4[%mul3A_2, %dma_wait3A_69] : memref<16384x64xf32, #tpu.memory_space<hbm>> -> memref<512x64xf32, #tpu.memory_space<hbm>>
      %dma_wait3A_71 = arith.constant 0 : i32
      %dma_wait3A_72 = tpu.memref_slice %arg4[%mul3A_2, %dma_wait3A_71] : memref<16384x64xf32, #tpu.memory_space<hbm>> -> memref<512x64xf32, #tpu.memory_space<hbm>>
      tpu.wait_dma2 semaphore(%run_scoped3A : memref<!tpu.dma_semaphore, #tpu.memory_space<semaphore_mem>>) src(%arg6 : memref<512x64xf32, #tpu.memory_space<vmem>>) dst(%dma_wait3A_72 : memref<512x64xf32, #tpu.memory_space<hbm>>)
      tpu.yield
    }) : () -> ()
    return
  }
}

module attributes {stable_mosaic.version = 14 : i64} {
  func.func @_argmin_body(%arg0: i32, %arg1: memref<512x64xf32, #tpu.memory_space<vmem>>, %arg2: memref<512xf32, #tpu.memory_space<vmem>>, %arg3: memref<4096x64xf32, #tpu.memory_space<vmem>>, %arg4: memref<4096xf32, #tpu.memory_space<vmem>>, %arg5: memref<512xi32, #tpu.memory_space<vmem>>, %arg6: memref<4096x64xbf16, #tpu.memory_space<vmem>>) attributes {dimension_semantics = [#tpu.dimension_semantics<arbitrary>], iteration_bounds = array<i64: 32>, scalar_prefetch = 0 : i64, scratch_operands = 1 : i64, tpu.core_type = #tpu.core_type<tc>, window_params = [{transform_indices = @transform_0, window_bounds = array<i64: 512, 64>}, {transform_indices = @transform_1, window_bounds = array<i64: 512>}, {pipeline_mode = #tpu.pipeline_mode<synchronous>, transform_indices = @transform_2, window_bounds = array<i64: 4096, 64>}, {pipeline_mode = #tpu.pipeline_mode<synchronous>, transform_indices = @transform_3, window_bounds = array<i64: 4096>}, {transform_indices = @transform_4, window_bounds = array<i64: 512>}]} {
    %eq3A = arith.constant 0 : i32
    %eq3A_0 = arith.cmpi eq, %arg0, %eq3A : i32
    %convert_element_type3A = arith.extui %eq3A_0 : i1 to i32
    %cond3A = arith.constant 0 : i32
    %cond3A_1 = arith.cmpi ne, %convert_element_type3A, %cond3A : i32
    scf.if %cond3A_1 {
      %get3A_1692 = arith.constant 0 : index
      %get3A_1693 = arith.constant 0 : index
      %get3A_1694 = vector.load %arg3[%get3A_1692, %get3A_1693] : memref<4096x64xf32, #tpu.memory_space<vmem>>, vector<4096x64xf32>
      %convert_element_type3A_1695 = arith.truncf %get3A_1694 : vector<4096x64xf32> to vector<4096x64xbf16>
      %swap3A_1696 = arith.constant 0 : index
      %swap3A_1697 = arith.constant 0 : index
      %swap3A_1698 = vector.load %arg6[%swap3A_1696, %swap3A_1697] : memref<4096x64xbf16, #tpu.memory_space<vmem>>, vector<4096x64xbf16>
      tpu.vector_store %arg6[%swap3A_1696, %swap3A_1697], %convert_element_type3A_1695 {strides = array<i32>} : memref<4096x64xbf16, #tpu.memory_space<vmem>>, vector<4096x64xbf16>,
    } else {
    }
    %get3A = arith.constant 0 : index
    %get3A_2 = arith.constant 0 : index
    %get3A_3 = vector.load %arg1[%get3A, %get3A_2] : memref<512x64xf32, #tpu.memory_space<vmem>>, vector<512x64xf32>
    %mul3A = arith.constant 2.000000e+00 : f32
    %mul3A_4 = vector.broadcast %mul3A : f32 to vector<512x64xf32>
    %mul3A_5 = arith.mulf %get3A_3, %mul3A_4 : vector<512x64xf32>
    %convert_element_type3A_6 = arith.truncf %mul3A_5 : vector<512x64xf32> to vector<512x64xbf16>
    %get3A_7 = arith.constant 0 : index
    %get3A_8 = arith.constant 0 : index
    %get3A_9 = vector.load %arg6[%get3A_7, %get3A_8] : memref<4096x64xbf16, #tpu.memory_space<vmem>>, vector<4096x64xbf16>
    %dot_general3A = arith.constant dense<0.000000e+00> : vector<512x4096xf32>
    %dot_general3A_10 = tpu.matmul %convert_element_type3A_6, %get3A_9, %dot_general3A {dimension_numbers = #tpu.dot_dimension_numbers<[1], [1], [0], [0], [0, 0, 1, 0], [], []>, transpose_lhs_hint = false} : vector<512x64xbf16>, vector<4096x64xbf16>, vector<512x4096xf32> -> vector<512x4096xf32>
    %get3A_11 = arith.constant 0 : index
    %get3A_12 = vector.load %arg2[%get3A_11] : memref<512xf32, #tpu.memory_space<vmem>>, vector<512xf32>
    %broadcast_in_dim3A = vector.shape_cast %get3A_12 : vector<512xf32> to vector<512x1xf32>
    %get3A_13 = arith.constant 0 : index
    %get3A_14 = vector.load %arg4[%get3A_13] : memref<4096xf32, #tpu.memory_space<vmem>>, vector<4096xf32>
    %iota3A = tpu.iota {dimensions = array<i32: 1>} : vector<128x128xi32>
    %convert_element_type3A_15 = arith.sitofp %iota3A : vector<128x128xi32> to vector<128x128xf32>
    %slice3A = vector.extract_strided_slice %broadcast_in_dim3A {offsets = [0, 0], sizes = [128, 1], strides = [1, 1]} : vector<512x1xf32> to vector<128x1xf32>
    %slice3A_16 = vector.extract_strided_slice %dot_general3A_10 {offsets = [0, 0], sizes = [128, 128], strides = [1, 1]} : vector<512x4096xf32> to vector<128x128xf32>
    %sub3A = vector.broadcast %slice3A : vector<128x1xf32> to vector<128x128xf32>
    %sub3A_17 = arith.subf %sub3A, %slice3A_16 : vector<128x128xf32>
    %slice3A_18 = vector.extract_strided_slice %get3A_14 {offsets = [0], sizes = [128], strides = [1]} : vector<4096xf32> to vector<128xf32>
    %broadcast_in_dim3A_19 = vector.shape_cast %slice3A_18 : vector<128xf32> to vector<1x128xf32>
    %add3A = vector.broadcast %broadcast_in_dim3A_19 : vector<1x128xf32> to vector<128x128xf32>
    %add3A_20 = arith.addf %sub3A_17, %add3A : vector<128x128xf32>
    %broadcast_in_dim3A_21 = arith.constant 0.000000e+00 : f32
    %broadcast_in_dim3A_22 = vector.broadcast %broadcast_in_dim3A_21 : f32 to vector<128x128xf32>
    %slice3A_23 = vector.extract_strided_slice %dot_general3A_10 {offsets = [0, 128], sizes = [128, 128], strides = [1, 1]} : vector<512x4096xf32> to vector<128x128xf32>
    %sub3A_24 = vector.broadcast %slice3A : vector<128x1xf32> to vector<128x128xf32>
    %sub3A_25 = arith.subf %sub3A_24, %slice3A_23 : vector<128x128xf32>
    %slice3A_26 = vector.extract_strided_slice %get3A_14 {offsets = [128], sizes = [128], strides = [1]} : vector<4096xf32> to vector<128xf32>
    %broadcast_in_dim3A_27 = vector.shape_cast %slice3A_26 : vector<128xf32> to vector<1x128xf32>
    %add3A_28 = vector.broadcast %broadcast_in_dim3A_27 : vector<1x128xf32> to vector<128x128xf32>
    %add3A_29 = arith.addf %sub3A_25, %add3A_28 : vector<128x128xf32>
    %lt3A = arith.cmpf olt, %add3A_29, %add3A_20 : vector<128x128xf32>
    %select_n3A = arith.select %lt3A, %add3A_29, %add3A_20 : vector<128x128xi1>, vector<128x128xf32>
    %jit3A = arith.constant 1.280000e+02 : f32
    %broadcast_in_dim3A_30 = vector.broadcast %jit3A : f32 to vector<128x128xf32>
    %select_n3A_31 = arith.select %lt3A, %broadcast_in_dim3A_30, %broadcast_in_dim3A_22 : vector<128x128xi1>, vector<128x128xf32>
    %slice3A_32 = vector.extract_strided_slice %dot_general3A_10 {offsets = [0, 256], sizes = [128, 128], strides = [1, 1]} : vector<512x4096xf32> to vector<128x128xf32>
    %sub3A_33 = vector.broadcast %slice3A : vector<128x1xf32> to vector<128x128xf32>
    %sub3A_34 = arith.subf %sub3A_33, %slice3A_32 : vector<128x128xf32>
    %slice3A_35 = vector.extract_strided_slice %get3A_14 {offsets = [256], sizes = [128], strides = [1]} : vector<4096xf32> to vector<128xf32>
    %broadcast_in_dim3A_36 = vector.shape_cast %slice3A_35 : vector<128xf32> to vector<1x128xf32>
    %add3A_37 = vector.broadcast %broadcast_in_dim3A_36 : vector<1x128xf32> to vector<128x128xf32>
    %add3A_38 = arith.addf %sub3A_34, %add3A_37 : vector<128x128xf32>
    %lt3A_39 = arith.cmpf olt, %add3A_38, %select_n3A : vector<128x128xf32>
    %select_n3A_40 = arith.select %lt3A_39, %add3A_38, %select_n3A : vector<128x128xi1>, vector<128x128xf32>
    %jit3A_41 = arith.constant 2.560000e+02 : f32
    %broadcast_in_dim3A_42 = vector.broadcast %jit3A_41 : f32 to vector<128x128xf32>
    %select_n3A_43 = arith.select %lt3A_39, %broadcast_in_dim3A_42, %select_n3A_31 : vector<128x128xi1>, vector<128x128xf32>
    %slice3A_44 = vector.extract_strided_slice %dot_general3A_10 {offsets = [0, 384], sizes = [128, 128], strides = [1, 1]} : vector<512x4096xf32> to vector<128x128xf32>
    %sub3A_45 = vector.broadcast %slice3A : vector<128x1xf32> to vector<128x128xf32>
    %sub3A_46 = arith.subf %sub3A_45, %slice3A_44 : vector<128x128xf32>
    %slice3A_47 = vector.extract_strided_slice %get3A_14 {offsets = [384], sizes = [128], strides = [1]} : vector<4096xf32> to vector<128xf32>
    %broadcast_in_dim3A_48 = vector.shape_cast %slice3A_47 : vector<128xf32> to vector<1x128xf32>
    %add3A_49 = vector.broadcast %broadcast_in_dim3A_48 : vector<1x128xf32> to vector<128x128xf32>
    %add3A_50 = arith.addf %sub3A_46, %add3A_49 : vector<128x128xf32>
    %lt3A_51 = arith.cmpf olt, %add3A_50, %select_n3A_40 : vector<128x128xf32>
    %select_n3A_52 = arith.select %lt3A_51, %add3A_50, %select_n3A_40 : vector<128x128xi1>, vector<128x128xf32>
    %jit3A_53 = arith.constant 3.840000e+02 : f32
    %broadcast_in_dim3A_54 = vector.broadcast %jit3A_53 : f32 to vector<128x128xf32>
    %select_n3A_55 = arith.select %lt3A_51, %broadcast_in_dim3A_54, %select_n3A_43 : vector<128x128xi1>, vector<128x128xf32>
    %slice3A_56 = vector.extract_strided_slice %dot_general3A_10 {offsets = [0, 512], sizes = [128, 128], strides = [1, 1]} : vector<512x4096xf32> to vector<128x128xf32>
    %sub3A_57 = vector.broadcast %slice3A : vector<128x1xf32> to vector<128x128xf32>
    %sub3A_58 = arith.subf %sub3A_57, %slice3A_56 : vector<128x128xf32>
    %slice3A_59 = vector.extract_strided_slice %get3A_14 {offsets = [512], sizes = [128], strides = [1]} : vector<4096xf32> to vector<128xf32>
    %broadcast_in_dim3A_60 = vector.shape_cast %slice3A_59 : vector<128xf32> to vector<1x128xf32>
    %add3A_61 = vector.broadcast %broadcast_in_dim3A_60 : vector<1x128xf32> to vector<128x128xf32>
    %add3A_62 = arith.addf %sub3A_58, %add3A_61 : vector<128x128xf32>
    %lt3A_63 = arith.cmpf olt, %add3A_62, %select_n3A_52 : vector<128x128xf32>
    %select_n3A_64 = arith.select %lt3A_63, %add3A_62, %select_n3A_52 : vector<128x128xi1>, vector<128x128xf32>
    %jit3A_65 = arith.constant 5.120000e+02 : f32
    %broadcast_in_dim3A_66 = vector.broadcast %jit3A_65 : f32 to vector<128x128xf32>
    %select_n3A_67 = arith.select %lt3A_63, %broadcast_in_dim3A_66, %select_n3A_55 : vector<128x128xi1>, vector<128x128xf32>
    %slice3A_68 = vector.extract_strided_slice %dot_general3A_10 {offsets = [0, 640], sizes = [128, 128], strides = [1, 1]} : vector<512x4096xf32> to vector<128x128xf32>
    %sub3A_69 = vector.broadcast %slice3A : vector<128x1xf32> to vector<128x128xf32>
    %sub3A_70 = arith.subf %sub3A_69, %slice3A_68 : vector<128x128xf32>
    %slice3A_71 = vector.extract_strided_slice %get3A_14 {offsets = [640], sizes = [128], strides = [1]} : vector<4096xf32> to vector<128xf32>
    %broadcast_in_dim3A_72 = vector.shape_cast %slice3A_71 : vector<128xf32> to vector<1x128xf32>
    %add3A_73 = vector.broadcast %broadcast_in_dim3A_72 : vector<1x128xf32> to vector<128x128xf32>
    %add3A_74 = arith.addf %sub3A_70, %add3A_73 : vector<128x128xf32>
    %lt3A_75 = arith.cmpf olt, %add3A_74, %select_n3A_64 : vector<128x128xf32>
    %select_n3A_76 = arith.select %lt3A_75, %add3A_74, %select_n3A_64 : vector<128x128xi1>, vector<128x128xf32>
    %jit3A_77 = arith.constant 6.400000e+02 : f32
    %broadcast_in_dim3A_78 = vector.broadcast %jit3A_77 : f32 to vector<128x128xf32>
    %select_n3A_79 = arith.select %lt3A_75, %broadcast_in_dim3A_78, %select_n3A_67 : vector<128x128xi1>, vector<128x128xf32>
    %slice3A_80 = vector.extract_strided_slice %dot_general3A_10 {offsets = [0, 768], sizes = [128, 128], strides = [1, 1]} : vector<512x4096xf32> to vector<128x128xf32>
    %sub3A_81 = vector.broadcast %slice3A : vector<128x1xf32> to vector<128x128xf32>
    %sub3A_82 = arith.subf %sub3A_81, %slice3A_80 : vector<128x128xf32>
    %slice3A_83 = vector.extract_strided_slice %get3A_14 {offsets = [768], sizes = [128], strides = [1]} : vector<4096xf32> to vector<128xf32>
    %broadcast_in_dim3A_84 = vector.shape_cast %slice3A_83 : vector<128xf32> to vector<1x128xf32>
    %add3A_85 = vector.broadcast %broadcast_in_dim3A_84 : vector<1x128xf32> to vector<128x128xf32>
    %add3A_86 = arith.addf %sub3A_82, %add3A_85 : vector<128x128xf32>
    %lt3A_87 = arith.cmpf olt, %add3A_86, %select_n3A_76 : vector<128x128xf32>
    %select_n3A_88 = arith.select %lt3A_87, %add3A_86, %select_n3A_76 : vector<128x128xi1>, vector<128x128xf32>
    %jit3A_89 = arith.constant 7.680000e+02 : f32
    %broadcast_in_dim3A_90 = vector.broadcast %jit3A_89 : f32 to vector<128x128xf32>
    %select_n3A_91 = arith.select %lt3A_87, %broadcast_in_dim3A_90, %select_n3A_79 : vector<128x128xi1>, vector<128x128xf32>
    %slice3A_92 = vector.extract_strided_slice %dot_general3A_10 {offsets = [0, 896], sizes = [128, 128], strides = [1, 1]} : vector<512x4096xf32> to vector<128x128xf32>
    %sub3A_93 = vector.broadcast %slice3A : vector<128x1xf32> to vector<128x128xf32>
    %sub3A_94 = arith.subf %sub3A_93, %slice3A_92 : vector<128x128xf32>
    %slice3A_95 = vector.extract_strided_slice %get3A_14 {offsets = [896], sizes = [128], strides = [1]} : vector<4096xf32> to vector<128xf32>
    %broadcast_in_dim3A_96 = vector.shape_cast %slice3A_95 : vector<128xf32> to vector<1x128xf32>
    %add3A_97 = vector.broadcast %broadcast_in_dim3A_96 : vector<1x128xf32> to vector<128x128xf32>
    %add3A_98 = arith.addf %sub3A_94, %add3A_97 : vector<128x128xf32>
    %lt3A_99 = arith.cmpf olt, %add3A_98, %select_n3A_88 : vector<128x128xf32>
    %select_n3A_100 = arith.select %lt3A_99, %add3A_98, %select_n3A_88 : vector<128x128xi1>, vector<128x128xf32>
    %jit3A_101 = arith.constant 8.960000e+02 : f32
    %broadcast_in_dim3A_102 = vector.broadcast %jit3A_101 : f32 to vector<128x128xf32>
    %select_n3A_103 = arith.select %lt3A_99, %broadcast_in_dim3A_102, %select_n3A_91 : vector<128x128xi1>, vector<128x128xf32>
    %slice3A_104 = vector.extract_strided_slice %dot_general3A_10 {offsets = [0, 1024], sizes = [128, 128], strides = [1, 1]} : vector<512x4096xf32> to vector<128x128xf32>
    %sub3A_105 = vector.broadcast %slice3A : vector<128x1xf32> to vector<128x128xf32>
    %sub3A_106 = arith.subf %sub3A_105, %slice3A_104 : vector<128x128xf32>
    %slice3A_107 = vector.extract_strided_slice %get3A_14 {offsets = [1024], sizes = [128], strides = [1]} : vector<4096xf32> to vector<128xf32>
    %broadcast_in_dim3A_108 = vector.shape_cast %slice3A_107 : vector<128xf32> to vector<1x128xf32>
    %add3A_109 = vector.broadcast %broadcast_in_dim3A_108 : vector<1x128xf32> to vector<128x128xf32>
    %add3A_110 = arith.addf %sub3A_106, %add3A_109 : vector<128x128xf32>
    %lt3A_111 = arith.cmpf olt, %add3A_110, %select_n3A_100 : vector<128x128xf32>
    %select_n3A_112 = arith.select %lt3A_111, %add3A_110, %select_n3A_100 : vector<128x128xi1>, vector<128x128xf32>
    %jit3A_113 = arith.constant 1.024000e+03 : f32
    %broadcast_in_dim3A_114 = vector.broadcast %jit3A_113 : f32 to vector<128x128xf32>
    %select_n3A_115 = arith.select %lt3A_111, %broadcast_in_dim3A_114, %select_n3A_103 : vector<128x128xi1>, vector<128x128xf32>
    %slice3A_116 = vector.extract_strided_slice %dot_general3A_10 {offsets = [0, 1152], sizes = [128, 128], strides = [1, 1]} : vector<512x4096xf32> to vector<128x128xf32>
    %sub3A_117 = vector.broadcast %slice3A : vector<128x1xf32> to vector<128x128xf32>
    %sub3A_118 = arith.subf %sub3A_117, %slice3A_116 : vector<128x128xf32>
    %slice3A_119 = vector.extract_strided_slice %get3A_14 {offsets = [1152], sizes = [128], strides = [1]} : vector<4096xf32> to vector<128xf32>
    %broadcast_in_dim3A_120 = vector.shape_cast %slice3A_119 : vector<128xf32> to vector<1x128xf32>
    %add3A_121 = vector.broadcast %broadcast_in_dim3A_120 : vector<1x128xf32> to vector<128x128xf32>
    %add3A_122 = arith.addf %sub3A_118, %add3A_121 : vector<128x128xf32>
    %lt3A_123 = arith.cmpf olt, %add3A_122, %select_n3A_112 : vector<128x128xf32>
    %select_n3A_124 = arith.select %lt3A_123, %add3A_122, %select_n3A_112 : vector<128x128xi1>, vector<128x128xf32>
    %jit3A_125 = arith.constant 1.152000e+03 : f32
    %broadcast_in_dim3A_126 = vector.broadcast %jit3A_125 : f32 to vector<128x128xf32>
    %select_n3A_127 = arith.select %lt3A_123, %broadcast_in_dim3A_126, %select_n3A_115 : vector<128x128xi1>, vector<128x128xf32>
    %slice3A_128 = vector.extract_strided_slice %dot_general3A_10 {offsets = [0, 1280], sizes = [128, 128], strides = [1, 1]} : vector<512x4096xf32> to vector<128x128xf32>
    %sub3A_129 = vector.broadcast %slice3A : vector<128x1xf32> to vector<128x128xf32>
    %sub3A_130 = arith.subf %sub3A_129, %slice3A_128 : vector<128x128xf32>
    %slice3A_131 = vector.extract_strided_slice %get3A_14 {offsets = [1280], sizes = [128], strides = [1]} : vector<4096xf32> to vector<128xf32>
    %broadcast_in_dim3A_132 = vector.shape_cast %slice3A_131 : vector<128xf32> to vector<1x128xf32>
    %add3A_133 = vector.broadcast %broadcast_in_dim3A_132 : vector<1x128xf32> to vector<128x128xf32>
    %add3A_134 = arith.addf %sub3A_130, %add3A_133 : vector<128x128xf32>
    %lt3A_135 = arith.cmpf olt, %add3A_134, %select_n3A_124 : vector<128x128xf32>
    %select_n3A_136 = arith.select %lt3A_135, %add3A_134, %select_n3A_124 : vector<128x128xi1>, vector<128x128xf32>
    %jit3A_137 = arith.constant 1.280000e+03 : f32
    %broadcast_in_dim3A_138 = vector.broadcast %jit3A_137 : f32 to vector<128x128xf32>
    %select_n3A_139 = arith.select %lt3A_135, %broadcast_in_dim3A_138, %select_n3A_127 : vector<128x128xi1>, vector<128x128xf32>
    %reduce_min3A = arith.constant dense<0x7F800000> : vector<128xf32>
    %reduce_min3A_140 = vector.multi_reduction <minimumf>, %select_n3A_136, %reduce_min3A [1] : vector<128x128xf32> to vector<128xf32>
    %broadcast_in_dim3A_141 = vector.shape_cast %reduce_min3A_140 : vector<128xf32> to vector<128x1xf32>
    %eq3A_142 = vector.broadcast %broadcast_in_dim3A_141 : vector<128x1xf32> to vector<128x128xf32>
    %eq3A_143 = arith.cmpf oeq, %select_n3A_136, %eq3A_142 : vector<128x128xf32>
    %add3A_144 = arith.addf %select_n3A_139, %convert_element_type3A_15 : vector<128x128xf32>
    %jit3A_145 = arith.constant 4.096000e+03 : f32
    %broadcast_in_dim3A_146 = vector.broadcast %jit3A_145 : f32 to vector<128x128xf32>
    %select_n3A_147 = arith.select %eq3A_143, %add3A_144, %broadcast_in_dim3A_146 : vector<128x128xi1>, vector<128x128xf32>
    %reduce_min3A_148 = arith.constant dense<0x7F800000> : vector<128xf32>
    %reduce_min3A_149 = vector.multi_reduction <minimumf>, %select_n3A_147, %reduce_min3A_148 [1] : vector<128x128xf32> to vector<128xf32>
    %convert_element_type3A_150 = arith.truncf %reduce_min3A_140 : vector<128xf32> to vector<128xbf16>
    %convert_element_type3A_151 = arith.extf %convert_element_type3A_150 : vector<128xbf16> to vector<128xf32>
    %slice3A_152 = vector.extract_strided_slice %dot_general3A_10 {offsets = [0, 1408], sizes = [128, 128], strides = [1, 1]} : vector<512x4096xf32> to vector<128x128xf32>
    %sub3A_153 = vector.broadcast %slice3A : vector<128x1xf32> to vector<128x128xf32>
    %sub3A_154 = arith.subf %sub3A_153, %slice3A_152 : vector<128x128xf32>
    %slice3A_155 = vector.extract_strided_slice %get3A_14 {offsets = [1408], sizes = [128], strides = [1]} : vector<4096xf32> to vector<128xf32>
    %broadcast_in_dim3A_156 = vector.shape_cast %slice3A_155 : vector<128xf32> to vector<1x128xf32>
    %add3A_157 = vector.broadcast %broadcast_in_dim3A_156 : vector<1x128xf32> to vector<128x128xf32>
    %add3A_158 = arith.addf %sub3A_154, %add3A_157 : vector<128x128xf32>
    %broadcast_in_dim3A_159 = arith.constant 1.408000e+03 : f32
    %broadcast_in_dim3A_160 = vector.broadcast %broadcast_in_dim3A_159 : f32 to vector<128x128xf32>
    %slice3A_161 = vector.extract_strided_slice %dot_general3A_10 {offsets = [0, 1536], sizes = [128, 128], strides = [1, 1]} : vector<512x4096xf32> to vector<128x128xf32>
    %sub3A_162 = vector.broadcast %slice3A : vector<128x1xf32> to vector<128x128xf32>
    %sub3A_163 = arith.subf %sub3A_162, %slice3A_161 : vector<128x128xf32>
    %slice3A_164 = vector.extract_strided_slice %get3A_14 {offsets = [1536], sizes = [128], strides = [1]} : vector<4096xf32> to vector<128xf32>
    %broadcast_in_dim3A_165 = vector.shape_cast %slice3A_164 : vector<128xf32> to vector<1x128xf32>
    %add3A_166 = vector.broadcast %broadcast_in_dim3A_165 : vector<1x128xf32> to vector<128x128xf32>
    %add3A_167 = arith.addf %sub3A_163, %add3A_166 : vector<128x128xf32>
    %lt3A_168 = arith.cmpf olt, %add3A_167, %add3A_158 : vector<128x128xf32>
    %select_n3A_169 = arith.select %lt3A_168, %add3A_167, %add3A_158 : vector<128x128xi1>, vector<128x128xf32>
    %jit3A_170 = arith.constant 1.536000e+03 : f32
    %broadcast_in_dim3A_171 = vector.broadcast %jit3A_170 : f32 to vector<128x128xf32>
    %select_n3A_172 = arith.select %lt3A_168, %broadcast_in_dim3A_171, %broadcast_in_dim3A_160 : vector<128x128xi1>, vector<128x128xf32>
    %slice3A_173 = vector.extract_strided_slice %dot_general3A_10 {offsets = [0, 1664], sizes = [128, 128], strides = [1, 1]} : vector<512x4096xf32> to vector<128x128xf32>
    %sub3A_174 = vector.broadcast %slice3A : vector<128x1xf32> to vector<128x128xf32>
    %sub3A_175 = arith.subf %sub3A_174, %slice3A_173 : vector<128x128xf32>
    %slice3A_176 = vector.extract_strided_slice %get3A_14 {offsets = [1664], sizes = [128], strides = [1]} : vector<4096xf32> to vector<128xf32>
    %broadcast_in_dim3A_177 = vector.shape_cast %slice3A_176 : vector<128xf32> to vector<1x128xf32>
    %add3A_178 = vector.broadcast %broadcast_in_dim3A_177 : vector<1x128xf32> to vector<128x128xf32>
    %add3A_179 = arith.addf %sub3A_175, %add3A_178 : vector<128x128xf32>
    %lt3A_180 = arith.cmpf olt, %add3A_179, %select_n3A_169 : vector<128x128xf32>
    %select_n3A_181 = arith.select %lt3A_180, %add3A_179, %select_n3A_169 : vector<128x128xi1>, vector<128x128xf32>
    %jit3A_182 = arith.constant 1.664000e+03 : f32
    %broadcast_in_dim3A_183 = vector.broadcast %jit3A_182 : f32 to vector<128x128xf32>
    %select_n3A_184 = arith.select %lt3A_180, %broadcast_in_dim3A_183, %select_n3A_172 : vector<128x128xi1>, vector<128x128xf32>
    %slice3A_185 = vector.extract_strided_slice %dot_general3A_10 {offsets = [0, 1792], sizes = [128, 128], strides = [1, 1]} : vector<512x4096xf32> to vector<128x128xf32>
    %sub3A_186 = vector.broadcast %slice3A : vector<128x1xf32> to vector<128x128xf32>
    %sub3A_187 = arith.subf %sub3A_186, %slice3A_185 : vector<128x128xf32>
    %slice3A_188 = vector.extract_strided_slice %get3A_14 {offsets = [1792], sizes = [128], strides = [1]} : vector<4096xf32> to vector<128xf32>
    %broadcast_in_dim3A_189 = vector.shape_cast %slice3A_188 : vector<128xf32> to vector<1x128xf32>
    %add3A_190 = vector.broadcast %broadcast_in_dim3A_189 : vector<1x128xf32> to vector<128x128xf32>
    %add3A_191 = arith.addf %sub3A_187, %add3A_190 : vector<128x128xf32>
    %lt3A_192 = arith.cmpf olt, %add3A_191, %select_n3A_181 : vector<128x128xf32>
    %select_n3A_193 = arith.select %lt3A_192, %add3A_191, %select_n3A_181 : vector<128x128xi1>, vector<128x128xf32>
    %jit3A_194 = arith.constant 1.792000e+03 : f32
    %broadcast_in_dim3A_195 = vector.broadcast %jit3A_194 : f32 to vector<128x128xf32>
    %select_n3A_196 = arith.select %lt3A_192, %broadcast_in_dim3A_195, %select_n3A_184 : vector<128x128xi1>, vector<128x128xf32>
    %slice3A_197 = vector.extract_strided_slice %dot_general3A_10 {offsets = [0, 1920], sizes = [128, 128], strides = [1, 1]} : vector<512x4096xf32> to vector<128x128xf32>
    %sub3A_198 = vector.broadcast %slice3A : vector<128x1xf32> to vector<128x128xf32>
    %sub3A_199 = arith.subf %sub3A_198, %slice3A_197 : vector<128x128xf32>
    %slice3A_200 = vector.extract_strided_slice %get3A_14 {offsets = [1920], sizes = [128], strides = [1]} : vector<4096xf32> to vector<128xf32>
    %broadcast_in_dim3A_201 = vector.shape_cast %slice3A_200 : vector<128xf32> to vector<1x128xf32>
    %add3A_202 = vector.broadcast %broadcast_in_dim3A_201 : vector<1x128xf32> to vector<128x128xf32>
    %add3A_203 = arith.addf %sub3A_199, %add3A_202 : vector<128x128xf32>
    %lt3A_204 = arith.cmpf olt, %add3A_203, %select_n3A_193 : vector<128x128xf32>
    %select_n3A_205 = arith.select %lt3A_204, %add3A_203, %select_n3A_193 : vector<128x128xi1>, vector<128x128xf32>
    %jit3A_206 = arith.constant 1.920000e+03 : f32
    %broadcast_in_dim3A_207 = vector.broadcast %jit3A_206 : f32 to vector<128x128xf32>
    %select_n3A_208 = arith.select %lt3A_204, %broadcast_in_dim3A_207, %select_n3A_196 : vector<128x128xi1>, vector<128x128xf32>
    %slice3A_209 = vector.extract_strided_slice %dot_general3A_10 {offsets = [0, 2048], sizes = [128, 128], strides = [1, 1]} : vector<512x4096xf32> to vector<128x128xf32>
    %sub3A_210 = vector.broadcast %slice3A : vector<128x1xf32> to vector<128x128xf32>
    %sub3A_211 = arith.subf %sub3A_210, %slice3A_209 : vector<128x128xf32>
    %slice3A_212 = vector.extract_strided_slice %get3A_14 {offsets = [2048], sizes = [128], strides = [1]} : vector<4096xf32> to vector<128xf32>
    %broadcast_in_dim3A_213 = vector.shape_cast %slice3A_212 : vector<128xf32> to vector<1x128xf32>
    %add3A_214 = vector.broadcast %broadcast_in_dim3A_213 : vector<1x128xf32> to vector<128x128xf32>
    %add3A_215 = arith.addf %sub3A_211, %add3A_214 : vector<128x128xf32>
    %lt3A_216 = arith.cmpf olt, %add3A_215, %select_n3A_205 : vector<128x128xf32>
    %select_n3A_217 = arith.select %lt3A_216, %add3A_215, %select_n3A_205 : vector<128x128xi1>, vector<128x128xf32>
    %jit3A_218 = arith.constant 2.048000e+03 : f32
    %broadcast_in_dim3A_219 = vector.broadcast %jit3A_218 : f32 to vector<128x128xf32>
    %select_n3A_220 = arith.select %lt3A_216, %broadcast_in_dim3A_219, %select_n3A_208 : vector<128x128xi1>, vector<128x128xf32>
    %slice3A_221 = vector.extract_strided_slice %dot_general3A_10 {offsets = [0, 2176], sizes = [128, 128], strides = [1, 1]} : vector<512x4096xf32> to vector<128x128xf32>
    %sub3A_222 = vector.broadcast %slice3A : vector<128x1xf32> to vector<128x128xf32>
    %sub3A_223 = arith.subf %sub3A_222, %slice3A_221 : vector<128x128xf32>
    %slice3A_224 = vector.extract_strided_slice %get3A_14 {offsets = [2176], sizes = [128], strides = [1]} : vector<4096xf32> to vector<128xf32>
    %broadcast_in_dim3A_225 = vector.shape_cast %slice3A_224 : vector<128xf32> to vector<1x128xf32>
    %add3A_226 = vector.broadcast %broadcast_in_dim3A_225 : vector<1x128xf32> to vector<128x128xf32>
    %add3A_227 = arith.addf %sub3A_223, %add3A_226 : vector<128x128xf32>
    %lt3A_228 = arith.cmpf olt, %add3A_227, %select_n3A_217 : vector<128x128xf32>
    %select_n3A_229 = arith.select %lt3A_228, %add3A_227, %select_n3A_217 : vector<128x128xi1>, vector<128x128xf32>
    %jit3A_230 = arith.constant 2.176000e+03 : f32
    %broadcast_in_dim3A_231 = vector.broadcast %jit3A_230 : f32 to vector<128x128xf32>
    %select_n3A_232 = arith.select %lt3A_228, %broadcast_in_dim3A_231, %select_n3A_220 : vector<128x128xi1>, vector<128x128xf32>
    %slice3A_233 = vector.extract_strided_slice %dot_general3A_10 {offsets = [0, 2304], sizes = [128, 128], strides = [1, 1]} : vector<512x4096xf32> to vector<128x128xf32>
    %sub3A_234 = vector.broadcast %slice3A : vector<128x1xf32> to vector<128x128xf32>
    %sub3A_235 = arith.subf %sub3A_234, %slice3A_233 : vector<128x128xf32>
    %slice3A_236 = vector.extract_strided_slice %get3A_14 {offsets = [2304], sizes = [128], strides = [1]} : vector<4096xf32> to vector<128xf32>
    %broadcast_in_dim3A_237 = vector.shape_cast %slice3A_236 : vector<128xf32> to vector<1x128xf32>
    %add3A_238 = vector.broadcast %broadcast_in_dim3A_237 : vector<1x128xf32> to vector<128x128xf32>
    %add3A_239 = arith.addf %sub3A_235, %add3A_238 : vector<128x128xf32>
    %lt3A_240 = arith.cmpf olt, %add3A_239, %select_n3A_229 : vector<128x128xf32>
    %select_n3A_241 = arith.select %lt3A_240, %add3A_239, %select_n3A_229 : vector<128x128xi1>, vector<128x128xf32>
    %jit3A_242 = arith.constant 2.304000e+03 : f32
    %broadcast_in_dim3A_243 = vector.broadcast %jit3A_242 : f32 to vector<128x128xf32>
    %select_n3A_244 = arith.select %lt3A_240, %broadcast_in_dim3A_243, %select_n3A_232 : vector<128x128xi1>, vector<128x128xf32>
    %slice3A_245 = vector.extract_strided_slice %dot_general3A_10 {offsets = [0, 2432], sizes = [128, 128], strides = [1, 1]} : vector<512x4096xf32> to vector<128x128xf32>
    %sub3A_246 = vector.broadcast %slice3A : vector<128x1xf32> to vector<128x128xf32>
    %sub3A_247 = arith.subf %sub3A_246, %slice3A_245 : vector<128x128xf32>
    %slice3A_248 = vector.extract_strided_slice %get3A_14 {offsets = [2432], sizes = [128], strides = [1]} : vector<4096xf32> to vector<128xf32>
    %broadcast_in_dim3A_249 = vector.shape_cast %slice3A_248 : vector<128xf32> to vector<1x128xf32>
    %add3A_250 = vector.broadcast %broadcast_in_dim3A_249 : vector<1x128xf32> to vector<128x128xf32>
    %add3A_251 = arith.addf %sub3A_247, %add3A_250 : vector<128x128xf32>
    %lt3A_252 = arith.cmpf olt, %add3A_251, %select_n3A_241 : vector<128x128xf32>
    %select_n3A_253 = arith.select %lt3A_252, %add3A_251, %select_n3A_241 : vector<128x128xi1>, vector<128x128xf32>
    %jit3A_254 = arith.constant 2.432000e+03 : f32
    %broadcast_in_dim3A_255 = vector.broadcast %jit3A_254 : f32 to vector<128x128xf32>
    %select_n3A_256 = arith.select %lt3A_252, %broadcast_in_dim3A_255, %select_n3A_244 : vector<128x128xi1>, vector<128x128xf32>
    %slice3A_257 = vector.extract_strided_slice %dot_general3A_10 {offsets = [0, 2560], sizes = [128, 128], strides = [1, 1]} : vector<512x4096xf32> to vector<128x128xf32>
    %sub3A_258 = vector.broadcast %slice3A : vector<128x1xf32> to vector<128x128xf32>
    %sub3A_259 = arith.subf %sub3A_258, %slice3A_257 : vector<128x128xf32>
    %slice3A_260 = vector.extract_strided_slice %get3A_14 {offsets = [2560], sizes = [128], strides = [1]} : vector<4096xf32> to vector<128xf32>
    %broadcast_in_dim3A_261 = vector.shape_cast %slice3A_260 : vector<128xf32> to vector<1x128xf32>
    %add3A_262 = vector.broadcast %broadcast_in_dim3A_261 : vector<1x128xf32> to vector<128x128xf32>
    %add3A_263 = arith.addf %sub3A_259, %add3A_262 : vector<128x128xf32>
    %lt3A_264 = arith.cmpf olt, %add3A_263, %select_n3A_253 : vector<128x128xf32>
    %select_n3A_265 = arith.select %lt3A_264, %add3A_263, %select_n3A_253 : vector<128x128xi1>, vector<128x128xf32>
    %jit3A_266 = arith.constant 2.560000e+03 : f32
    %broadcast_in_dim3A_267 = vector.broadcast %jit3A_266 : f32 to vector<128x128xf32>
    %select_n3A_268 = arith.select %lt3A_264, %broadcast_in_dim3A_267, %select_n3A_256 : vector<128x128xi1>, vector<128x128xf32>
    %slice3A_269 = vector.extract_strided_slice %dot_general3A_10 {offsets = [0, 2688], sizes = [128, 128], strides = [1, 1]} : vector<512x4096xf32> to vector<128x128xf32>
    %sub3A_270 = vector.broadcast %slice3A : vector<128x1xf32> to vector<128x128xf32>
    %sub3A_271 = arith.subf %sub3A_270, %slice3A_269 : vector<128x128xf32>
    %slice3A_272 = vector.extract_strided_slice %get3A_14 {offsets = [2688], sizes = [128], strides = [1]} : vector<4096xf32> to vector<128xf32>
    %broadcast_in_dim3A_273 = vector.shape_cast %slice3A_272 : vector<128xf32> to vector<1x128xf32>
    %add3A_274 = vector.broadcast %broadcast_in_dim3A_273 : vector<1x128xf32> to vector<128x128xf32>
    %add3A_275 = arith.addf %sub3A_271, %add3A_274 : vector<128x128xf32>
    %lt3A_276 = arith.cmpf olt, %add3A_275, %select_n3A_265 : vector<128x128xf32>
    %select_n3A_277 = arith.select %lt3A_276, %add3A_275, %select_n3A_265 : vector<128x128xi1>, vector<128x128xf32>
    %jit3A_278 = arith.constant 2.688000e+03 : f32
    %broadcast_in_dim3A_279 = vector.broadcast %jit3A_278 : f32 to vector<128x128xf32>
    %select_n3A_280 = arith.select %lt3A_276, %broadcast_in_dim3A_279, %select_n3A_268 : vector<128x128xi1>, vector<128x128xf32>
    %reduce_min3A_281 = arith.constant dense<0x7F800000> : vector<128xf32>
    %reduce_min3A_282 = vector.multi_reduction <minimumf>, %select_n3A_277, %reduce_min3A_281 [1] : vector<128x128xf32> to vector<128xf32>
    %broadcast_in_dim3A_283 = vector.shape_cast %reduce_min3A_282 : vector<128xf32> to vector<128x1xf32>
    %eq3A_284 = vector.broadcast %broadcast_in_dim3A_283 : vector<128x1xf32> to vector<128x128xf32>
    %eq3A_285 = arith.cmpf oeq, %select_n3A_277, %eq3A_284 : vector<128x128xf32>
    %add3A_286 = arith.addf %select_n3A_280, %convert_element_type3A_15 : vector<128x128xf32>
    %jit3A_287 = arith.constant 4.096000e+03 : f32
    %broadcast_in_dim3A_288 = vector.broadcast %jit3A_287 : f32 to vector<128x128xf32>
    %select_n3A_289 = arith.select %eq3A_285, %add3A_286, %broadcast_in_dim3A_288 : vector<128x128xi1>, vector<128x128xf32>
    %reduce_min3A_290 = arith.constant dense<0x7F800000> : vector<128xf32>
    %reduce_min3A_291 = vector.multi_reduction <minimumf>, %select_n3A_289, %reduce_min3A_290 [1] : vector<128x128xf32> to vector<128xf32>
    %convert_element_type3A_292 = arith.truncf %reduce_min3A_282 : vector<128xf32> to vector<128xbf16>
    %convert_element_type3A_293 = arith.extf %convert_element_type3A_292 : vector<128xbf16> to vector<128xf32>
    %lt3A_294 = arith.cmpf olt, %reduce_min3A_282, %convert_element_type3A_151 : vector<128xf32>
    %select_n3A_295 = arith.select %lt3A_294, %convert_element_type3A_293, %convert_element_type3A_151 : vector<128xi1>, vector<128xf32>
    %select_n3A_296 = arith.select %lt3A_294, %reduce_min3A_291, %reduce_min3A_149 : vector<128xi1>, vector<128xf32>
    %slice3A_297 = vector.extract_strided_slice %dot_general3A_10 {offsets = [0, 2816], sizes = [128, 128], strides = [1, 1]} : vector<512x4096xf32> to vector<128x128xf32>
    %sub3A_298 = vector.broadcast %slice3A : vector<128x1xf32> to vector<128x128xf32>
    %sub3A_299 = arith.subf %sub3A_298, %slice3A_297 : vector<128x128xf32>
    %slice3A_300 = vector.extract_strided_slice %get3A_14 {offsets = [2816], sizes = [128], strides = [1]} : vector<4096xf32> to vector<128xf32>
    %broadcast_in_dim3A_301 = vector.shape_cast %slice3A_300 : vector<128xf32> to vector<1x128xf32>
    %add3A_302 = vector.broadcast %broadcast_in_dim3A_301 : vector<1x128xf32> to vector<128x128xf32>
    %add3A_303 = arith.addf %sub3A_299, %add3A_302 : vector<128x128xf32>
    %broadcast_in_dim3A_304 = arith.constant 2.816000e+03 : f32
    %broadcast_in_dim3A_305 = vector.broadcast %broadcast_in_dim3A_304 : f32 to vector<128x128xf32>
    %slice3A_306 = vector.extract_strided_slice %dot_general3A_10 {offsets = [0, 2944], sizes = [128, 128], strides = [1, 1]} : vector<512x4096xf32> to vector<128x128xf32>
    %sub3A_307 = vector.broadcast %slice3A : vector<128x1xf32> to vector<128x128xf32>
    %sub3A_308 = arith.subf %sub3A_307, %slice3A_306 : vector<128x128xf32>
    %slice3A_309 = vector.extract_strided_slice %get3A_14 {offsets = [2944], sizes = [128], strides = [1]} : vector<4096xf32> to vector<128xf32>
    %broadcast_in_dim3A_310 = vector.shape_cast %slice3A_309 : vector<128xf32> to vector<1x128xf32>
    %add3A_311 = vector.broadcast %broadcast_in_dim3A_310 : vector<1x128xf32> to vector<128x128xf32>
    %add3A_312 = arith.addf %sub3A_308, %add3A_311 : vector<128x128xf32>
    %lt3A_313 = arith.cmpf olt, %add3A_312, %add3A_303 : vector<128x128xf32>
    %select_n3A_314 = arith.select %lt3A_313, %add3A_312, %add3A_303 : vector<128x128xi1>, vector<128x128xf32>
    %jit3A_315 = arith.constant 2.944000e+03 : f32
    %broadcast_in_dim3A_316 = vector.broadcast %jit3A_315 : f32 to vector<128x128xf32>
    %select_n3A_317 = arith.select %lt3A_313, %broadcast_in_dim3A_316, %broadcast_in_dim3A_305 : vector<128x128xi1>, vector<128x128xf32>
    %slice3A_318 = vector.extract_strided_slice %dot_general3A_10 {offsets = [0, 3072], sizes = [128, 128], strides = [1, 1]} : vector<512x4096xf32> to vector<128x128xf32>
    %sub3A_319 = vector.broadcast %slice3A : vector<128x1xf32> to vector<128x128xf32>
    %sub3A_320 = arith.subf %sub3A_319, %slice3A_318 : vector<128x128xf32>
    %slice3A_321 = vector.extract_strided_slice %get3A_14 {offsets = [3072], sizes = [128], strides = [1]} : vector<4096xf32> to vector<128xf32>
    %broadcast_in_dim3A_322 = vector.shape_cast %slice3A_321 : vector<128xf32> to vector<1x128xf32>
    %add3A_323 = vector.broadcast %broadcast_in_dim3A_322 : vector<1x128xf32> to vector<128x128xf32>
    %add3A_324 = arith.addf %sub3A_320, %add3A_323 : vector<128x128xf32>
    %lt3A_325 = arith.cmpf olt, %add3A_324, %select_n3A_314 : vector<128x128xf32>
    %select_n3A_326 = arith.select %lt3A_325, %add3A_324, %select_n3A_314 : vector<128x128xi1>, vector<128x128xf32>
    %jit3A_327 = arith.constant 3.072000e+03 : f32
    %broadcast_in_dim3A_328 = vector.broadcast %jit3A_327 : f32 to vector<128x128xf32>
    %select_n3A_329 = arith.select %lt3A_325, %broadcast_in_dim3A_328, %select_n3A_317 : vector<128x128xi1>, vector<128x128xf32>
    %slice3A_330 = vector.extract_strided_slice %dot_general3A_10 {offsets = [0, 3200], sizes = [128, 128], strides = [1, 1]} : vector<512x4096xf32> to vector<128x128xf32>
    %sub3A_331 = vector.broadcast %slice3A : vector<128x1xf32> to vector<128x128xf32>
    %sub3A_332 = arith.subf %sub3A_331, %slice3A_330 : vector<128x128xf32>
    %slice3A_333 = vector.extract_strided_slice %get3A_14 {offsets = [3200], sizes = [128], strides = [1]} : vector<4096xf32> to vector<128xf32>
    %broadcast_in_dim3A_334 = vector.shape_cast %slice3A_333 : vector<128xf32> to vector<1x128xf32>
    %add3A_335 = vector.broadcast %broadcast_in_dim3A_334 : vector<1x128xf32> to vector<128x128xf32>
    %add3A_336 = arith.addf %sub3A_332, %add3A_335 : vector<128x128xf32>
    %lt3A_337 = arith.cmpf olt, %add3A_336, %select_n3A_326 : vector<128x128xf32>
    %select_n3A_338 = arith.select %lt3A_337, %add3A_336, %select_n3A_326 : vector<128x128xi1>, vector<128x128xf32>
    %jit3A_339 = arith.constant 3.200000e+03 : f32
    %broadcast_in_dim3A_340 = vector.broadcast %jit3A_339 : f32 to vector<128x128xf32>
    %select_n3A_341 = arith.select %lt3A_337, %broadcast_in_dim3A_340, %select_n3A_329 : vector<128x128xi1>, vector<128x128xf32>
    %slice3A_342 = vector.extract_strided_slice %dot_general3A_10 {offsets = [0, 3328], sizes = [128, 128], strides = [1, 1]} : vector<512x4096xf32> to vector<128x128xf32>
    %sub3A_343 = vector.broadcast %slice3A : vector<128x1xf32> to vector<128x128xf32>
    %sub3A_344 = arith.subf %sub3A_343, %slice3A_342 : vector<128x128xf32>
    %slice3A_345 = vector.extract_strided_slice %get3A_14 {offsets = [3328], sizes = [128], strides = [1]} : vector<4096xf32> to vector<128xf32>
    %broadcast_in_dim3A_346 = vector.shape_cast %slice3A_345 : vector<128xf32> to vector<1x128xf32>
    %add3A_347 = vector.broadcast %broadcast_in_dim3A_346 : vector<1x128xf32> to vector<128x128xf32>
    %add3A_348 = arith.addf %sub3A_344, %add3A_347 : vector<128x128xf32>
    %lt3A_349 = arith.cmpf olt, %add3A_348, %select_n3A_338 : vector<128x128xf32>
    %select_n3A_350 = arith.select %lt3A_349, %add3A_348, %select_n3A_338 : vector<128x128xi1>, vector<128x128xf32>
    %jit3A_351 = arith.constant 3.328000e+03 : f32
    %broadcast_in_dim3A_352 = vector.broadcast %jit3A_351 : f32 to vector<128x128xf32>
    %select_n3A_353 = arith.select %lt3A_349, %broadcast_in_dim3A_352, %select_n3A_341 : vector<128x128xi1>, vector<128x128xf32>
    %slice3A_354 = vector.extract_strided_slice %dot_general3A_10 {offsets = [0, 3456], sizes = [128, 128], strides = [1, 1]} : vector<512x4096xf32> to vector<128x128xf32>
    %sub3A_355 = vector.broadcast %slice3A : vector<128x1xf32> to vector<128x128xf32>
    %sub3A_356 = arith.subf %sub3A_355, %slice3A_354 : vector<128x128xf32>
    %slice3A_357 = vector.extract_strided_slice %get3A_14 {offsets = [3456], sizes = [128], strides = [1]} : vector<4096xf32> to vector<128xf32>
    %broadcast_in_dim3A_358 = vector.shape_cast %slice3A_357 : vector<128xf32> to vector<1x128xf32>
    %add3A_359 = vector.broadcast %broadcast_in_dim3A_358 : vector<1x128xf32> to vector<128x128xf32>
    %add3A_360 = arith.addf %sub3A_356, %add3A_359 : vector<128x128xf32>
    %lt3A_361 = arith.cmpf olt, %add3A_360, %select_n3A_350 : vector<128x128xf32>
    %select_n3A_362 = arith.select %lt3A_361, %add3A_360, %select_n3A_350 : vector<128x128xi1>, vector<128x128xf32>
    %jit3A_363 = arith.constant 3.456000e+03 : f32
    %broadcast_in_dim3A_364 = vector.broadcast %jit3A_363 : f32 to vector<128x128xf32>
    %select_n3A_365 = arith.select %lt3A_361, %broadcast_in_dim3A_364, %select_n3A_353 : vector<128x128xi1>, vector<128x128xf32>
    %slice3A_366 = vector.extract_strided_slice %dot_general3A_10 {offsets = [0, 3584], sizes = [128, 128], strides = [1, 1]} : vector<512x4096xf32> to vector<128x128xf32>
    %sub3A_367 = vector.broadcast %slice3A : vector<128x1xf32> to vector<128x128xf32>
    %sub3A_368 = arith.subf %sub3A_367, %slice3A_366 : vector<128x128xf32>
    %slice3A_369 = vector.extract_strided_slice %get3A_14 {offsets = [3584], sizes = [128], strides = [1]} : vector<4096xf32> to vector<128xf32>
    %broadcast_in_dim3A_370 = vector.shape_cast %slice3A_369 : vector<128xf32> to vector<1x128xf32>
    %add3A_371 = vector.broadcast %broadcast_in_dim3A_370 : vector<1x128xf32> to vector<128x128xf32>
    %add3A_372 = arith.addf %sub3A_368, %add3A_371 : vector<128x128xf32>
    %lt3A_373 = arith.cmpf olt, %add3A_372, %select_n3A_362 : vector<128x128xf32>
    %select_n3A_374 = arith.select %lt3A_373, %add3A_372, %select_n3A_362 : vector<128x128xi1>, vector<128x128xf32>
    %jit3A_375 = arith.constant 3.584000e+03 : f32
    %broadcast_in_dim3A_376 = vector.broadcast %jit3A_375 : f32 to vector<128x128xf32>
    %select_n3A_377 = arith.select %lt3A_373, %broadcast_in_dim3A_376, %select_n3A_365 : vector<128x128xi1>, vector<128x128xf32>
    %slice3A_378 = vector.extract_strided_slice %dot_general3A_10 {offsets = [0, 3712], sizes = [128, 128], strides = [1, 1]} : vector<512x4096xf32> to vector<128x128xf32>
    %sub3A_379 = vector.broadcast %slice3A : vector<128x1xf32> to vector<128x128xf32>
    %sub3A_380 = arith.subf %sub3A_379, %slice3A_378 : vector<128x128xf32>
    %slice3A_381 = vector.extract_strided_slice %get3A_14 {offsets = [3712], sizes = [128], strides = [1]} : vector<4096xf32> to vector<128xf32>
    %broadcast_in_dim3A_382 = vector.shape_cast %slice3A_381 : vector<128xf32> to vector<1x128xf32>
    %add3A_383 = vector.broadcast %broadcast_in_dim3A_382 : vector<1x128xf32> to vector<128x128xf32>
    %add3A_384 = arith.addf %sub3A_380, %add3A_383 : vector<128x128xf32>
    %lt3A_385 = arith.cmpf olt, %add3A_384, %select_n3A_374 : vector<128x128xf32>
    %select_n3A_386 = arith.select %lt3A_385, %add3A_384, %select_n3A_374 : vector<128x128xi1>, vector<128x128xf32>
    %jit3A_387 = arith.constant 3.712000e+03 : f32
    %broadcast_in_dim3A_388 = vector.broadcast %jit3A_387 : f32 to vector<128x128xf32>
    %select_n3A_389 = arith.select %lt3A_385, %broadcast_in_dim3A_388, %select_n3A_377 : vector<128x128xi1>, vector<128x128xf32>
    %slice3A_390 = vector.extract_strided_slice %dot_general3A_10 {offsets = [0, 3840], sizes = [128, 128], strides = [1, 1]} : vector<512x4096xf32> to vector<128x128xf32>
    %sub3A_391 = vector.broadcast %slice3A : vector<128x1xf32> to vector<128x128xf32>
    %sub3A_392 = arith.subf %sub3A_391, %slice3A_390 : vector<128x128xf32>
    %slice3A_393 = vector.extract_strided_slice %get3A_14 {offsets = [3840], sizes = [128], strides = [1]} : vector<4096xf32> to vector<128xf32>
    %broadcast_in_dim3A_394 = vector.shape_cast %slice3A_393 : vector<128xf32> to vector<1x128xf32>
    %add3A_395 = vector.broadcast %broadcast_in_dim3A_394 : vector<1x128xf32> to vector<128x128xf32>
    %add3A_396 = arith.addf %sub3A_392, %add3A_395 : vector<128x128xf32>
    %lt3A_397 = arith.cmpf olt, %add3A_396, %select_n3A_386 : vector<128x128xf32>
    %select_n3A_398 = arith.select %lt3A_397, %add3A_396, %select_n3A_386 : vector<128x128xi1>, vector<128x128xf32>
    %jit3A_399 = arith.constant 3.840000e+03 : f32
    %broadcast_in_dim3A_400 = vector.broadcast %jit3A_399 : f32 to vector<128x128xf32>
    %select_n3A_401 = arith.select %lt3A_397, %broadcast_in_dim3A_400, %select_n3A_389 : vector<128x128xi1>, vector<128x128xf32>
    %slice3A_402 = vector.extract_strided_slice %dot_general3A_10 {offsets = [0, 3968], sizes = [128, 128], strides = [1, 1]} : vector<512x4096xf32> to vector<128x128xf32>
    %sub3A_403 = vector.broadcast %slice3A : vector<128x1xf32> to vector<128x128xf32>
    %sub3A_404 = arith.subf %sub3A_403, %slice3A_402 : vector<128x128xf32>
    %slice3A_405 = vector.extract_strided_slice %get3A_14 {offsets = [3968], sizes = [128], strides = [1]} : vector<4096xf32> to vector<128xf32>
    %broadcast_in_dim3A_406 = vector.shape_cast %slice3A_405 : vector<128xf32> to vector<1x128xf32>
    %add3A_407 = vector.broadcast %broadcast_in_dim3A_406 : vector<1x128xf32> to vector<128x128xf32>
    %add3A_408 = arith.addf %sub3A_404, %add3A_407 : vector<128x128xf32>
    %lt3A_409 = arith.cmpf olt, %add3A_408, %select_n3A_398 : vector<128x128xf32>
    %select_n3A_410 = arith.select %lt3A_409, %add3A_408, %select_n3A_398 : vector<128x128xi1>, vector<128x128xf32>
    %jit3A_411 = arith.constant 3.968000e+03 : f32
    %broadcast_in_dim3A_412 = vector.broadcast %jit3A_411 : f32 to vector<128x128xf32>
    %select_n3A_413 = arith.select %lt3A_409, %broadcast_in_dim3A_412, %select_n3A_401 : vector<128x128xi1>, vector<128x128xf32>
    %reduce_min3A_414 = arith.constant dense<0x7F800000> : vector<128xf32>
    %reduce_min3A_415 = vector.multi_reduction <minimumf>, %select_n3A_410, %reduce_min3A_414 [1] : vector<128x128xf32> to vector<128xf32>
    %broadcast_in_dim3A_416 = vector.shape_cast %reduce_min3A_415 : vector<128xf32> to vector<128x1xf32>
    %eq3A_417 = vector.broadcast %broadcast_in_dim3A_416 : vector<128x1xf32> to vector<128x128xf32>
    %eq3A_418 = arith.cmpf oeq, %select_n3A_410, %eq3A_417 : vector<128x128xf32>
    %add3A_419 = arith.addf %select_n3A_413, %convert_element_type3A_15 : vector<128x128xf32>
    %jit3A_420 = arith.constant 4.096000e+03 : f32
    %broadcast_in_dim3A_421 = vector.broadcast %jit3A_420 : f32 to vector<128x128xf32>
    %select_n3A_422 = arith.select %eq3A_418, %add3A_419, %broadcast_in_dim3A_421 : vector<128x128xi1>, vector<128x128xf32>
    %reduce_min3A_423 = arith.constant dense<0x7F800000> : vector<128xf32>
    %reduce_min3A_424 = vector.multi_reduction <minimumf>, %select_n3A_422, %reduce_min3A_423 [1] : vector<128x128xf32> to vector<128xf32>
    %lt3A_425 = arith.cmpf olt, %reduce_min3A_415, %select_n3A_295 : vector<128xf32>
    %select_n3A_426 = arith.select %lt3A_425, %reduce_min3A_424, %select_n3A_296 : vector<128xi1>, vector<128xf32>
    %convert_element_type3A_427 = arith.fptosi %select_n3A_426 : vector<128xf32> to vector<128xi32>
    %swap3A = arith.constant 0 : index
    %swap3A_428 = vector.load %arg5[%swap3A] : memref<512xi32, #tpu.memory_space<vmem>>, vector<128xi32>
    tpu.vector_store %arg5[%swap3A], %convert_element_type3A_427 {strides = array<i32>} : memref<512xi32, #tpu.memory_space<vmem>>, vector<128xi32>,
    %slice3A_429 = vector.extract_strided_slice %broadcast_in_dim3A {offsets = [128, 0], sizes = [128, 1], strides = [1, 1]} : vector<512x1xf32> to vector<128x1xf32>
    %slice3A_430 = vector.extract_strided_slice %dot_general3A_10 {offsets = [128, 0], sizes = [128, 128], strides = [1, 1]} : vector<512x4096xf32> to vector<128x128xf32>
    %sub3A_431 = vector.broadcast %slice3A_429 : vector<128x1xf32> to vector<128x128xf32>
    %sub3A_432 = arith.subf %sub3A_431, %slice3A_430 : vector<128x128xf32>
    %slice3A_433 = vector.extract_strided_slice %get3A_14 {offsets = [0], sizes = [128], strides = [1]} : vector<4096xf32> to vector<128xf32>
    %broadcast_in_dim3A_434 = vector.shape_cast %slice3A_433 : vector<128xf32> to vector<1x128xf32>
    %add3A_435 = vector.broadcast %broadcast_in_dim3A_434 : vector<1x128xf32> to vector<128x128xf32>
    %add3A_436 = arith.addf %sub3A_432, %add3A_435 : vector<128x128xf32>
    %broadcast_in_dim3A_437 = arith.constant 0.000000e+00 : f32
    %broadcast_in_dim3A_438 = vector.broadcast %broadcast_in_dim3A_437 : f32 to vector<128x128xf32>
    %slice3A_439 = vector.extract_strided_slice %dot_general3A_10 {offsets = [128, 128], sizes = [128, 128], strides = [1, 1]} : vector<512x4096xf32> to vector<128x128xf32>
    %sub3A_440 = vector.broadcast %slice3A_429 : vector<128x1xf32> to vector<128x128xf32>
    %sub3A_441 = arith.subf %sub3A_440, %slice3A_439 : vector<128x128xf32>
    %slice3A_442 = vector.extract_strided_slice %get3A_14 {offsets = [128], sizes = [128], strides = [1]} : vector<4096xf32> to vector<128xf32>
    %broadcast_in_dim3A_443 = vector.shape_cast %slice3A_442 : vector<128xf32> to vector<1x128xf32>
    %add3A_444 = vector.broadcast %broadcast_in_dim3A_443 : vector<1x128xf32> to vector<128x128xf32>
    %add3A_445 = arith.addf %sub3A_441, %add3A_444 : vector<128x128xf32>
    %lt3A_446 = arith.cmpf olt, %add3A_445, %add3A_436 : vector<128x128xf32>
    %select_n3A_447 = arith.select %lt3A_446, %add3A_445, %add3A_436 : vector<128x128xi1>, vector<128x128xf32>
    %jit3A_448 = arith.constant 1.280000e+02 : f32
    %broadcast_in_dim3A_449 = vector.broadcast %jit3A_448 : f32 to vector<128x128xf32>
    %select_n3A_450 = arith.select %lt3A_446, %broadcast_in_dim3A_449, %broadcast_in_dim3A_438 : vector<128x128xi1>, vector<128x128xf32>
    %slice3A_451 = vector.extract_strided_slice %dot_general3A_10 {offsets = [128, 256], sizes = [128, 128], strides = [1, 1]} : vector<512x4096xf32> to vector<128x128xf32>
    %sub3A_452 = vector.broadcast %slice3A_429 : vector<128x1xf32> to vector<128x128xf32>
    %sub3A_453 = arith.subf %sub3A_452, %slice3A_451 : vector<128x128xf32>
    %slice3A_454 = vector.extract_strided_slice %get3A_14 {offsets = [256], sizes = [128], strides = [1]} : vector<4096xf32> to vector<128xf32>
    %broadcast_in_dim3A_455 = vector.shape_cast %slice3A_454 : vector<128xf32> to vector<1x128xf32>
    %add3A_456 = vector.broadcast %broadcast_in_dim3A_455 : vector<1x128xf32> to vector<128x128xf32>
    %add3A_457 = arith.addf %sub3A_453, %add3A_456 : vector<128x128xf32>
    %lt3A_458 = arith.cmpf olt, %add3A_457, %select_n3A_447 : vector<128x128xf32>
    %select_n3A_459 = arith.select %lt3A_458, %add3A_457, %select_n3A_447 : vector<128x128xi1>, vector<128x128xf32>
    %jit3A_460 = arith.constant 2.560000e+02 : f32
    %broadcast_in_dim3A_461 = vector.broadcast %jit3A_460 : f32 to vector<128x128xf32>
    %select_n3A_462 = arith.select %lt3A_458, %broadcast_in_dim3A_461, %select_n3A_450 : vector<128x128xi1>, vector<128x128xf32>
    %slice3A_463 = vector.extract_strided_slice %dot_general3A_10 {offsets = [128, 384], sizes = [128, 128], strides = [1, 1]} : vector<512x4096xf32> to vector<128x128xf32>
    %sub3A_464 = vector.broadcast %slice3A_429 : vector<128x1xf32> to vector<128x128xf32>
    %sub3A_465 = arith.subf %sub3A_464, %slice3A_463 : vector<128x128xf32>
    %slice3A_466 = vector.extract_strided_slice %get3A_14 {offsets = [384], sizes = [128], strides = [1]} : vector<4096xf32> to vector<128xf32>
    %broadcast_in_dim3A_467 = vector.shape_cast %slice3A_466 : vector<128xf32> to vector<1x128xf32>
    %add3A_468 = vector.broadcast %broadcast_in_dim3A_467 : vector<1x128xf32> to vector<128x128xf32>
    %add3A_469 = arith.addf %sub3A_465, %add3A_468 : vector<128x128xf32>
    %lt3A_470 = arith.cmpf olt, %add3A_469, %select_n3A_459 : vector<128x128xf32>
    %select_n3A_471 = arith.select %lt3A_470, %add3A_469, %select_n3A_459 : vector<128x128xi1>, vector<128x128xf32>
    %jit3A_472 = arith.constant 3.840000e+02 : f32
    %broadcast_in_dim3A_473 = vector.broadcast %jit3A_472 : f32 to vector<128x128xf32>
    %select_n3A_474 = arith.select %lt3A_470, %broadcast_in_dim3A_473, %select_n3A_462 : vector<128x128xi1>, vector<128x128xf32>
    %slice3A_475 = vector.extract_strided_slice %dot_general3A_10 {offsets = [128, 512], sizes = [128, 128], strides = [1, 1]} : vector<512x4096xf32> to vector<128x128xf32>
    %sub3A_476 = vector.broadcast %slice3A_429 : vector<128x1xf32> to vector<128x128xf32>
    %sub3A_477 = arith.subf %sub3A_476, %slice3A_475 : vector<128x128xf32>
    %slice3A_478 = vector.extract_strided_slice %get3A_14 {offsets = [512], sizes = [128], strides = [1]} : vector<4096xf32> to vector<128xf32>
    %broadcast_in_dim3A_479 = vector.shape_cast %slice3A_478 : vector<128xf32> to vector<1x128xf32>
    %add3A_480 = vector.broadcast %broadcast_in_dim3A_479 : vector<1x128xf32> to vector<128x128xf32>
    %add3A_481 = arith.addf %sub3A_477, %add3A_480 : vector<128x128xf32>
    %lt3A_482 = arith.cmpf olt, %add3A_481, %select_n3A_471 : vector<128x128xf32>
    %select_n3A_483 = arith.select %lt3A_482, %add3A_481, %select_n3A_471 : vector<128x128xi1>, vector<128x128xf32>
    %jit3A_484 = arith.constant 5.120000e+02 : f32
    %broadcast_in_dim3A_485 = vector.broadcast %jit3A_484 : f32 to vector<128x128xf32>
    %select_n3A_486 = arith.select %lt3A_482, %broadcast_in_dim3A_485, %select_n3A_474 : vector<128x128xi1>, vector<128x128xf32>
    %slice3A_487 = vector.extract_strided_slice %dot_general3A_10 {offsets = [128, 640], sizes = [128, 128], strides = [1, 1]} : vector<512x4096xf32> to vector<128x128xf32>
    %sub3A_488 = vector.broadcast %slice3A_429 : vector<128x1xf32> to vector<128x128xf32>
    %sub3A_489 = arith.subf %sub3A_488, %slice3A_487 : vector<128x128xf32>
    %slice3A_490 = vector.extract_strided_slice %get3A_14 {offsets = [640], sizes = [128], strides = [1]} : vector<4096xf32> to vector<128xf32>
    %broadcast_in_dim3A_491 = vector.shape_cast %slice3A_490 : vector<128xf32> to vector<1x128xf32>
    %add3A_492 = vector.broadcast %broadcast_in_dim3A_491 : vector<1x128xf32> to vector<128x128xf32>
    %add3A_493 = arith.addf %sub3A_489, %add3A_492 : vector<128x128xf32>
    %lt3A_494 = arith.cmpf olt, %add3A_493, %select_n3A_483 : vector<128x128xf32>
    %select_n3A_495 = arith.select %lt3A_494, %add3A_493, %select_n3A_483 : vector<128x128xi1>, vector<128x128xf32>
    %jit3A_496 = arith.constant 6.400000e+02 : f32
    %broadcast_in_dim3A_497 = vector.broadcast %jit3A_496 : f32 to vector<128x128xf32>
    %select_n3A_498 = arith.select %lt3A_494, %broadcast_in_dim3A_497, %select_n3A_486 : vector<128x128xi1>, vector<128x128xf32>
    %slice3A_499 = vector.extract_strided_slice %dot_general3A_10 {offsets = [128, 768], sizes = [128, 128], strides = [1, 1]} : vector<512x4096xf32> to vector<128x128xf32>
    %sub3A_500 = vector.broadcast %slice3A_429 : vector<128x1xf32> to vector<128x128xf32>
    %sub3A_501 = arith.subf %sub3A_500, %slice3A_499 : vector<128x128xf32>
    %slice3A_502 = vector.extract_strided_slice %get3A_14 {offsets = [768], sizes = [128], strides = [1]} : vector<4096xf32> to vector<128xf32>
    %broadcast_in_dim3A_503 = vector.shape_cast %slice3A_502 : vector<128xf32> to vector<1x128xf32>
    %add3A_504 = vector.broadcast %broadcast_in_dim3A_503 : vector<1x128xf32> to vector<128x128xf32>
    %add3A_505 = arith.addf %sub3A_501, %add3A_504 : vector<128x128xf32>
    %lt3A_506 = arith.cmpf olt, %add3A_505, %select_n3A_495 : vector<128x128xf32>
    %select_n3A_507 = arith.select %lt3A_506, %add3A_505, %select_n3A_495 : vector<128x128xi1>, vector<128x128xf32>
    %jit3A_508 = arith.constant 7.680000e+02 : f32
    %broadcast_in_dim3A_509 = vector.broadcast %jit3A_508 : f32 to vector<128x128xf32>
    %select_n3A_510 = arith.select %lt3A_506, %broadcast_in_dim3A_509, %select_n3A_498 : vector<128x128xi1>, vector<128x128xf32>
    %slice3A_511 = vector.extract_strided_slice %dot_general3A_10 {offsets = [128, 896], sizes = [128, 128], strides = [1, 1]} : vector<512x4096xf32> to vector<128x128xf32>
    %sub3A_512 = vector.broadcast %slice3A_429 : vector<128x1xf32> to vector<128x128xf32>
    %sub3A_513 = arith.subf %sub3A_512, %slice3A_511 : vector<128x128xf32>
    %slice3A_514 = vector.extract_strided_slice %get3A_14 {offsets = [896], sizes = [128], strides = [1]} : vector<4096xf32> to vector<128xf32>
    %broadcast_in_dim3A_515 = vector.shape_cast %slice3A_514 : vector<128xf32> to vector<1x128xf32>
    %add3A_516 = vector.broadcast %broadcast_in_dim3A_515 : vector<1x128xf32> to vector<128x128xf32>
    %add3A_517 = arith.addf %sub3A_513, %add3A_516 : vector<128x128xf32>
    %lt3A_518 = arith.cmpf olt, %add3A_517, %select_n3A_507 : vector<128x128xf32>
    %select_n3A_519 = arith.select %lt3A_518, %add3A_517, %select_n3A_507 : vector<128x128xi1>, vector<128x128xf32>
    %jit3A_520 = arith.constant 8.960000e+02 : f32
    %broadcast_in_dim3A_521 = vector.broadcast %jit3A_520 : f32 to vector<128x128xf32>
    %select_n3A_522 = arith.select %lt3A_518, %broadcast_in_dim3A_521, %select_n3A_510 : vector<128x128xi1>, vector<128x128xf32>
    %slice3A_523 = vector.extract_strided_slice %dot_general3A_10 {offsets = [128, 1024], sizes = [128, 128], strides = [1, 1]} : vector<512x4096xf32> to vector<128x128xf32>
    %sub3A_524 = vector.broadcast %slice3A_429 : vector<128x1xf32> to vector<128x128xf32>
    %sub3A_525 = arith.subf %sub3A_524, %slice3A_523 : vector<128x128xf32>
    %slice3A_526 = vector.extract_strided_slice %get3A_14 {offsets = [1024], sizes = [128], strides = [1]} : vector<4096xf32> to vector<128xf32>
    %broadcast_in_dim3A_527 = vector.shape_cast %slice3A_526 : vector<128xf32> to vector<1x128xf32>
    %add3A_528 = vector.broadcast %broadcast_in_dim3A_527 : vector<1x128xf32> to vector<128x128xf32>
    %add3A_529 = arith.addf %sub3A_525, %add3A_528 : vector<128x128xf32>
    %lt3A_530 = arith.cmpf olt, %add3A_529, %select_n3A_519 : vector<128x128xf32>
    %select_n3A_531 = arith.select %lt3A_530, %add3A_529, %select_n3A_519 : vector<128x128xi1>, vector<128x128xf32>
    %jit3A_532 = arith.constant 1.024000e+03 : f32
    %broadcast_in_dim3A_533 = vector.broadcast %jit3A_532 : f32 to vector<128x128xf32>
    %select_n3A_534 = arith.select %lt3A_530, %broadcast_in_dim3A_533, %select_n3A_522 : vector<128x128xi1>, vector<128x128xf32>
    %slice3A_535 = vector.extract_strided_slice %dot_general3A_10 {offsets = [128, 1152], sizes = [128, 128], strides = [1, 1]} : vector<512x4096xf32> to vector<128x128xf32>
    %sub3A_536 = vector.broadcast %slice3A_429 : vector<128x1xf32> to vector<128x128xf32>
    %sub3A_537 = arith.subf %sub3A_536, %slice3A_535 : vector<128x128xf32>
    %slice3A_538 = vector.extract_strided_slice %get3A_14 {offsets = [1152], sizes = [128], strides = [1]} : vector<4096xf32> to vector<128xf32>
    %broadcast_in_dim3A_539 = vector.shape_cast %slice3A_538 : vector<128xf32> to vector<1x128xf32>
    %add3A_540 = vector.broadcast %broadcast_in_dim3A_539 : vector<1x128xf32> to vector<128x128xf32>
    %add3A_541 = arith.addf %sub3A_537, %add3A_540 : vector<128x128xf32>
    %lt3A_542 = arith.cmpf olt, %add3A_541, %select_n3A_531 : vector<128x128xf32>
    %select_n3A_543 = arith.select %lt3A_542, %add3A_541, %select_n3A_531 : vector<128x128xi1>, vector<128x128xf32>
    %jit3A_544 = arith.constant 1.152000e+03 : f32
    %broadcast_in_dim3A_545 = vector.broadcast %jit3A_544 : f32 to vector<128x128xf32>
    %select_n3A_546 = arith.select %lt3A_542, %broadcast_in_dim3A_545, %select_n3A_534 : vector<128x128xi1>, vector<128x128xf32>
    %slice3A_547 = vector.extract_strided_slice %dot_general3A_10 {offsets = [128, 1280], sizes = [128, 128], strides = [1, 1]} : vector<512x4096xf32> to vector<128x128xf32>
    %sub3A_548 = vector.broadcast %slice3A_429 : vector<128x1xf32> to vector<128x128xf32>
    %sub3A_549 = arith.subf %sub3A_548, %slice3A_547 : vector<128x128xf32>
    %slice3A_550 = vector.extract_strided_slice %get3A_14 {offsets = [1280], sizes = [128], strides = [1]} : vector<4096xf32> to vector<128xf32>
    %broadcast_in_dim3A_551 = vector.shape_cast %slice3A_550 : vector<128xf32> to vector<1x128xf32>
    %add3A_552 = vector.broadcast %broadcast_in_dim3A_551 : vector<1x128xf32> to vector<128x128xf32>
    %add3A_553 = arith.addf %sub3A_549, %add3A_552 : vector<128x128xf32>
    %lt3A_554 = arith.cmpf olt, %add3A_553, %select_n3A_543 : vector<128x128xf32>
    %select_n3A_555 = arith.select %lt3A_554, %add3A_553, %select_n3A_543 : vector<128x128xi1>, vector<128x128xf32>
    %jit3A_556 = arith.constant 1.280000e+03 : f32
    %broadcast_in_dim3A_557 = vector.broadcast %jit3A_556 : f32 to vector<128x128xf32>
    %select_n3A_558 = arith.select %lt3A_554, %broadcast_in_dim3A_557, %select_n3A_546 : vector<128x128xi1>, vector<128x128xf32>
    %reduce_min3A_559 = arith.constant dense<0x7F800000> : vector<128xf32>
    %reduce_min3A_560 = vector.multi_reduction <minimumf>, %select_n3A_555, %reduce_min3A_559 [1] : vector<128x128xf32> to vector<128xf32>
    %broadcast_in_dim3A_561 = vector.shape_cast %reduce_min3A_560 : vector<128xf32> to vector<128x1xf32>
    %eq3A_562 = vector.broadcast %broadcast_in_dim3A_561 : vector<128x1xf32> to vector<128x128xf32>
    %eq3A_563 = arith.cmpf oeq, %select_n3A_555, %eq3A_562 : vector<128x128xf32>
    %add3A_564 = arith.addf %select_n3A_558, %convert_element_type3A_15 : vector<128x128xf32>
    %jit3A_565 = arith.constant 4.096000e+03 : f32
    %broadcast_in_dim3A_566 = vector.broadcast %jit3A_565 : f32 to vector<128x128xf32>
    %select_n3A_567 = arith.select %eq3A_563, %add3A_564, %broadcast_in_dim3A_566 : vector<128x128xi1>, vector<128x128xf32>
    %reduce_min3A_568 = arith.constant dense<0x7F800000> : vector<128xf32>
    %reduce_min3A_569 = vector.multi_reduction <minimumf>, %select_n3A_567, %reduce_min3A_568 [1] : vector<128x128xf32> to vector<128xf32>
    %convert_element_type3A_570 = arith.truncf %reduce_min3A_560 : vector<128xf32> to vector<128xbf16>
    %convert_element_type3A_571 = arith.extf %convert_element_type3A_570 : vector<128xbf16> to vector<128xf32>
    %slice3A_572 = vector.extract_strided_slice %dot_general3A_10 {offsets = [128, 1408], sizes = [128, 128], strides = [1, 1]} : vector<512x4096xf32> to vector<128x128xf32>
    %sub3A_573 = vector.broadcast %slice3A_429 : vector<128x1xf32> to vector<128x128xf32>
    %sub3A_574 = arith.subf %sub3A_573, %slice3A_572 : vector<128x128xf32>
    %slice3A_575 = vector.extract_strided_slice %get3A_14 {offsets = [1408], sizes = [128], strides = [1]} : vector<4096xf32> to vector<128xf32>
    %broadcast_in_dim3A_576 = vector.shape_cast %slice3A_575 : vector<128xf32> to vector<1x128xf32>
    %add3A_577 = vector.broadcast %broadcast_in_dim3A_576 : vector<1x128xf32> to vector<128x128xf32>
    %add3A_578 = arith.addf %sub3A_574, %add3A_577 : vector<128x128xf32>
    %broadcast_in_dim3A_579 = arith.constant 1.408000e+03 : f32
    %broadcast_in_dim3A_580 = vector.broadcast %broadcast_in_dim3A_579 : f32 to vector<128x128xf32>
    %slice3A_581 = vector.extract_strided_slice %dot_general3A_10 {offsets = [128, 1536], sizes = [128, 128], strides = [1, 1]} : vector<512x4096xf32> to vector<128x128xf32>
    %sub3A_582 = vector.broadcast %slice3A_429 : vector<128x1xf32> to vector<128x128xf32>
    %sub3A_583 = arith.subf %sub3A_582, %slice3A_581 : vector<128x128xf32>
    %slice3A_584 = vector.extract_strided_slice %get3A_14 {offsets = [1536], sizes = [128], strides = [1]} : vector<4096xf32> to vector<128xf32>
    %broadcast_in_dim3A_585 = vector.shape_cast %slice3A_584 : vector<128xf32> to vector<1x128xf32>
    %add3A_586 = vector.broadcast %broadcast_in_dim3A_585 : vector<1x128xf32> to vector<128x128xf32>
    %add3A_587 = arith.addf %sub3A_583, %add3A_586 : vector<128x128xf32>
    %lt3A_588 = arith.cmpf olt, %add3A_587, %add3A_578 : vector<128x128xf32>
    %select_n3A_589 = arith.select %lt3A_588, %add3A_587, %add3A_578 : vector<128x128xi1>, vector<128x128xf32>
    %jit3A_590 = arith.constant 1.536000e+03 : f32
    %broadcast_in_dim3A_591 = vector.broadcast %jit3A_590 : f32 to vector<128x128xf32>
    %select_n3A_592 = arith.select %lt3A_588, %broadcast_in_dim3A_591, %broadcast_in_dim3A_580 : vector<128x128xi1>, vector<128x128xf32>
    %slice3A_593 = vector.extract_strided_slice %dot_general3A_10 {offsets = [128, 1664], sizes = [128, 128], strides = [1, 1]} : vector<512x4096xf32> to vector<128x128xf32>
    %sub3A_594 = vector.broadcast %slice3A_429 : vector<128x1xf32> to vector<128x128xf32>
    %sub3A_595 = arith.subf %sub3A_594, %slice3A_593 : vector<128x128xf32>
    %slice3A_596 = vector.extract_strided_slice %get3A_14 {offsets = [1664], sizes = [128], strides = [1]} : vector<4096xf32> to vector<128xf32>
    %broadcast_in_dim3A_597 = vector.shape_cast %slice3A_596 : vector<128xf32> to vector<1x128xf32>
    %add3A_598 = vector.broadcast %broadcast_in_dim3A_597 : vector<1x128xf32> to vector<128x128xf32>
    %add3A_599 = arith.addf %sub3A_595, %add3A_598 : vector<128x128xf32>
    %lt3A_600 = arith.cmpf olt, %add3A_599, %select_n3A_589 : vector<128x128xf32>
    %select_n3A_601 = arith.select %lt3A_600, %add3A_599, %select_n3A_589 : vector<128x128xi1>, vector<128x128xf32>
    %jit3A_602 = arith.constant 1.664000e+03 : f32
    %broadcast_in_dim3A_603 = vector.broadcast %jit3A_602 : f32 to vector<128x128xf32>
    %select_n3A_604 = arith.select %lt3A_600, %broadcast_in_dim3A_603, %select_n3A_592 : vector<128x128xi1>, vector<128x128xf32>
    %slice3A_605 = vector.extract_strided_slice %dot_general3A_10 {offsets = [128, 1792], sizes = [128, 128], strides = [1, 1]} : vector<512x4096xf32> to vector<128x128xf32>
    %sub3A_606 = vector.broadcast %slice3A_429 : vector<128x1xf32> to vector<128x128xf32>
    %sub3A_607 = arith.subf %sub3A_606, %slice3A_605 : vector<128x128xf32>
    %slice3A_608 = vector.extract_strided_slice %get3A_14 {offsets = [1792], sizes = [128], strides = [1]} : vector<4096xf32> to vector<128xf32>
    %broadcast_in_dim3A_609 = vector.shape_cast %slice3A_608 : vector<128xf32> to vector<1x128xf32>
    %add3A_610 = vector.broadcast %broadcast_in_dim3A_609 : vector<1x128xf32> to vector<128x128xf32>
    %add3A_611 = arith.addf %sub3A_607, %add3A_610 : vector<128x128xf32>
    %lt3A_612 = arith.cmpf olt, %add3A_611, %select_n3A_601 : vector<128x128xf32>
    %select_n3A_613 = arith.select %lt3A_612, %add3A_611, %select_n3A_601 : vector<128x128xi1>, vector<128x128xf32>
    %jit3A_614 = arith.constant 1.792000e+03 : f32
    %broadcast_in_dim3A_615 = vector.broadcast %jit3A_614 : f32 to vector<128x128xf32>
    %select_n3A_616 = arith.select %lt3A_612, %broadcast_in_dim3A_615, %select_n3A_604 : vector<128x128xi1>, vector<128x128xf32>
    %slice3A_617 = vector.extract_strided_slice %dot_general3A_10 {offsets = [128, 1920], sizes = [128, 128], strides = [1, 1]} : vector<512x4096xf32> to vector<128x128xf32>
    %sub3A_618 = vector.broadcast %slice3A_429 : vector<128x1xf32> to vector<128x128xf32>
    %sub3A_619 = arith.subf %sub3A_618, %slice3A_617 : vector<128x128xf32>
    %slice3A_620 = vector.extract_strided_slice %get3A_14 {offsets = [1920], sizes = [128], strides = [1]} : vector<4096xf32> to vector<128xf32>
    %broadcast_in_dim3A_621 = vector.shape_cast %slice3A_620 : vector<128xf32> to vector<1x128xf32>
    %add3A_622 = vector.broadcast %broadcast_in_dim3A_621 : vector<1x128xf32> to vector<128x128xf32>
    %add3A_623 = arith.addf %sub3A_619, %add3A_622 : vector<128x128xf32>
    %lt3A_624 = arith.cmpf olt, %add3A_623, %select_n3A_613 : vector<128x128xf32>
    %select_n3A_625 = arith.select %lt3A_624, %add3A_623, %select_n3A_613 : vector<128x128xi1>, vector<128x128xf32>
    %jit3A_626 = arith.constant 1.920000e+03 : f32
    %broadcast_in_dim3A_627 = vector.broadcast %jit3A_626 : f32 to vector<128x128xf32>
    %select_n3A_628 = arith.select %lt3A_624, %broadcast_in_dim3A_627, %select_n3A_616 : vector<128x128xi1>, vector<128x128xf32>
    %slice3A_629 = vector.extract_strided_slice %dot_general3A_10 {offsets = [128, 2048], sizes = [128, 128], strides = [1, 1]} : vector<512x4096xf32> to vector<128x128xf32>
    %sub3A_630 = vector.broadcast %slice3A_429 : vector<128x1xf32> to vector<128x128xf32>
    %sub3A_631 = arith.subf %sub3A_630, %slice3A_629 : vector<128x128xf32>
    %slice3A_632 = vector.extract_strided_slice %get3A_14 {offsets = [2048], sizes = [128], strides = [1]} : vector<4096xf32> to vector<128xf32>
    %broadcast_in_dim3A_633 = vector.shape_cast %slice3A_632 : vector<128xf32> to vector<1x128xf32>
    %add3A_634 = vector.broadcast %broadcast_in_dim3A_633 : vector<1x128xf32> to vector<128x128xf32>
    %add3A_635 = arith.addf %sub3A_631, %add3A_634 : vector<128x128xf32>
    %lt3A_636 = arith.cmpf olt, %add3A_635, %select_n3A_625 : vector<128x128xf32>
    %select_n3A_637 = arith.select %lt3A_636, %add3A_635, %select_n3A_625 : vector<128x128xi1>, vector<128x128xf32>
    %jit3A_638 = arith.constant 2.048000e+03 : f32
    %broadcast_in_dim3A_639 = vector.broadcast %jit3A_638 : f32 to vector<128x128xf32>
    %select_n3A_640 = arith.select %lt3A_636, %broadcast_in_dim3A_639, %select_n3A_628 : vector<128x128xi1>, vector<128x128xf32>
    %slice3A_641 = vector.extract_strided_slice %dot_general3A_10 {offsets = [128, 2176], sizes = [128, 128], strides = [1, 1]} : vector<512x4096xf32> to vector<128x128xf32>
    %sub3A_642 = vector.broadcast %slice3A_429 : vector<128x1xf32> to vector<128x128xf32>
    %sub3A_643 = arith.subf %sub3A_642, %slice3A_641 : vector<128x128xf32>
    %slice3A_644 = vector.extract_strided_slice %get3A_14 {offsets = [2176], sizes = [128], strides = [1]} : vector<4096xf32> to vector<128xf32>
    %broadcast_in_dim3A_645 = vector.shape_cast %slice3A_644 : vector<128xf32> to vector<1x128xf32>
    %add3A_646 = vector.broadcast %broadcast_in_dim3A_645 : vector<1x128xf32> to vector<128x128xf32>
    %add3A_647 = arith.addf %sub3A_643, %add3A_646 : vector<128x128xf32>
    %lt3A_648 = arith.cmpf olt, %add3A_647, %select_n3A_637 : vector<128x128xf32>
    %select_n3A_649 = arith.select %lt3A_648, %add3A_647, %select_n3A_637 : vector<128x128xi1>, vector<128x128xf32>
    %jit3A_650 = arith.constant 2.176000e+03 : f32
    %broadcast_in_dim3A_651 = vector.broadcast %jit3A_650 : f32 to vector<128x128xf32>
    %select_n3A_652 = arith.select %lt3A_648, %broadcast_in_dim3A_651, %select_n3A_640 : vector<128x128xi1>, vector<128x128xf32>
    %slice3A_653 = vector.extract_strided_slice %dot_general3A_10 {offsets = [128, 2304], sizes = [128, 128], strides = [1, 1]} : vector<512x4096xf32> to vector<128x128xf32>
    %sub3A_654 = vector.broadcast %slice3A_429 : vector<128x1xf32> to vector<128x128xf32>
    %sub3A_655 = arith.subf %sub3A_654, %slice3A_653 : vector<128x128xf32>
    %slice3A_656 = vector.extract_strided_slice %get3A_14 {offsets = [2304], sizes = [128], strides = [1]} : vector<4096xf32> to vector<128xf32>
    %broadcast_in_dim3A_657 = vector.shape_cast %slice3A_656 : vector<128xf32> to vector<1x128xf32>
    %add3A_658 = vector.broadcast %broadcast_in_dim3A_657 : vector<1x128xf32> to vector<128x128xf32>
    %add3A_659 = arith.addf %sub3A_655, %add3A_658 : vector<128x128xf32>
    %lt3A_660 = arith.cmpf olt, %add3A_659, %select_n3A_649 : vector<128x128xf32>
    %select_n3A_661 = arith.select %lt3A_660, %add3A_659, %select_n3A_649 : vector<128x128xi1>, vector<128x128xf32>
    %jit3A_662 = arith.constant 2.304000e+03 : f32
    %broadcast_in_dim3A_663 = vector.broadcast %jit3A_662 : f32 to vector<128x128xf32>
    %select_n3A_664 = arith.select %lt3A_660, %broadcast_in_dim3A_663, %select_n3A_652 : vector<128x128xi1>, vector<128x128xf32>
    %slice3A_665 = vector.extract_strided_slice %dot_general3A_10 {offsets = [128, 2432], sizes = [128, 128], strides = [1, 1]} : vector<512x4096xf32> to vector<128x128xf32>
    %sub3A_666 = vector.broadcast %slice3A_429 : vector<128x1xf32> to vector<128x128xf32>
    %sub3A_667 = arith.subf %sub3A_666, %slice3A_665 : vector<128x128xf32>
    %slice3A_668 = vector.extract_strided_slice %get3A_14 {offsets = [2432], sizes = [128], strides = [1]} : vector<4096xf32> to vector<128xf32>
    %broadcast_in_dim3A_669 = vector.shape_cast %slice3A_668 : vector<128xf32> to vector<1x128xf32>
    %add3A_670 = vector.broadcast %broadcast_in_dim3A_669 : vector<1x128xf32> to vector<128x128xf32>
    %add3A_671 = arith.addf %sub3A_667, %add3A_670 : vector<128x128xf32>
    %lt3A_672 = arith.cmpf olt, %add3A_671, %select_n3A_661 : vector<128x128xf32>
    %select_n3A_673 = arith.select %lt3A_672, %add3A_671, %select_n3A_661 : vector<128x128xi1>, vector<128x128xf32>
    %jit3A_674 = arith.constant 2.432000e+03 : f32
    %broadcast_in_dim3A_675 = vector.broadcast %jit3A_674 : f32 to vector<128x128xf32>
    %select_n3A_676 = arith.select %lt3A_672, %broadcast_in_dim3A_675, %select_n3A_664 : vector<128x128xi1>, vector<128x128xf32>
    %slice3A_677 = vector.extract_strided_slice %dot_general3A_10 {offsets = [128, 2560], sizes = [128, 128], strides = [1, 1]} : vector<512x4096xf32> to vector<128x128xf32>
    %sub3A_678 = vector.broadcast %slice3A_429 : vector<128x1xf32> to vector<128x128xf32>
    %sub3A_679 = arith.subf %sub3A_678, %slice3A_677 : vector<128x128xf32>
    %slice3A_680 = vector.extract_strided_slice %get3A_14 {offsets = [2560], sizes = [128], strides = [1]} : vector<4096xf32> to vector<128xf32>
    %broadcast_in_dim3A_681 = vector.shape_cast %slice3A_680 : vector<128xf32> to vector<1x128xf32>
    %add3A_682 = vector.broadcast %broadcast_in_dim3A_681 : vector<1x128xf32> to vector<128x128xf32>
    %add3A_683 = arith.addf %sub3A_679, %add3A_682 : vector<128x128xf32>
    %lt3A_684 = arith.cmpf olt, %add3A_683, %select_n3A_673 : vector<128x128xf32>
    %select_n3A_685 = arith.select %lt3A_684, %add3A_683, %select_n3A_673 : vector<128x128xi1>, vector<128x128xf32>
    %jit3A_686 = arith.constant 2.560000e+03 : f32
    %broadcast_in_dim3A_687 = vector.broadcast %jit3A_686 : f32 to vector<128x128xf32>
    %select_n3A_688 = arith.select %lt3A_684, %broadcast_in_dim3A_687, %select_n3A_676 : vector<128x128xi1>, vector<128x128xf32>
    %slice3A_689 = vector.extract_strided_slice %dot_general3A_10 {offsets = [128, 2688], sizes = [128, 128], strides = [1, 1]} : vector<512x4096xf32> to vector<128x128xf32>
    %sub3A_690 = vector.broadcast %slice3A_429 : vector<128x1xf32> to vector<128x128xf32>
    %sub3A_691 = arith.subf %sub3A_690, %slice3A_689 : vector<128x128xf32>
    %slice3A_692 = vector.extract_strided_slice %get3A_14 {offsets = [2688], sizes = [128], strides = [1]} : vector<4096xf32> to vector<128xf32>
    %broadcast_in_dim3A_693 = vector.shape_cast %slice3A_692 : vector<128xf32> to vector<1x128xf32>
    %add3A_694 = vector.broadcast %broadcast_in_dim3A_693 : vector<1x128xf32> to vector<128x128xf32>
    %add3A_695 = arith.addf %sub3A_691, %add3A_694 : vector<128x128xf32>
    %lt3A_696 = arith.cmpf olt, %add3A_695, %select_n3A_685 : vector<128x128xf32>
    %select_n3A_697 = arith.select %lt3A_696, %add3A_695, %select_n3A_685 : vector<128x128xi1>, vector<128x128xf32>
    %jit3A_698 = arith.constant 2.688000e+03 : f32
    %broadcast_in_dim3A_699 = vector.broadcast %jit3A_698 : f32 to vector<128x128xf32>
    %select_n3A_700 = arith.select %lt3A_696, %broadcast_in_dim3A_699, %select_n3A_688 : vector<128x128xi1>, vector<128x128xf32>
    %reduce_min3A_701 = arith.constant dense<0x7F800000> : vector<128xf32>
    %reduce_min3A_702 = vector.multi_reduction <minimumf>, %select_n3A_697, %reduce_min3A_701 [1] : vector<128x128xf32> to vector<128xf32>
    %broadcast_in_dim3A_703 = vector.shape_cast %reduce_min3A_702 : vector<128xf32> to vector<128x1xf32>
    %eq3A_704 = vector.broadcast %broadcast_in_dim3A_703 : vector<128x1xf32> to vector<128x128xf32>
    %eq3A_705 = arith.cmpf oeq, %select_n3A_697, %eq3A_704 : vector<128x128xf32>
    %add3A_706 = arith.addf %select_n3A_700, %convert_element_type3A_15 : vector<128x128xf32>
    %jit3A_707 = arith.constant 4.096000e+03 : f32
    %broadcast_in_dim3A_708 = vector.broadcast %jit3A_707 : f32 to vector<128x128xf32>
    %select_n3A_709 = arith.select %eq3A_705, %add3A_706, %broadcast_in_dim3A_708 : vector<128x128xi1>, vector<128x128xf32>
    %reduce_min3A_710 = arith.constant dense<0x7F800000> : vector<128xf32>
    %reduce_min3A_711 = vector.multi_reduction <minimumf>, %select_n3A_709, %reduce_min3A_710 [1] : vector<128x128xf32> to vector<128xf32>
    %convert_element_type3A_712 = arith.truncf %reduce_min3A_702 : vector<128xf32> to vector<128xbf16>
    %convert_element_type3A_713 = arith.extf %convert_element_type3A_712 : vector<128xbf16> to vector<128xf32>
    %lt3A_714 = arith.cmpf olt, %reduce_min3A_702, %convert_element_type3A_571 : vector<128xf32>
    %select_n3A_715 = arith.select %lt3A_714, %convert_element_type3A_713, %convert_element_type3A_571 : vector<128xi1>, vector<128xf32>
    %select_n3A_716 = arith.select %lt3A_714, %reduce_min3A_711, %reduce_min3A_569 : vector<128xi1>, vector<128xf32>
    %slice3A_717 = vector.extract_strided_slice %dot_general3A_10 {offsets = [128, 2816], sizes = [128, 128], strides = [1, 1]} : vector<512x4096xf32> to vector<128x128xf32>
    %sub3A_718 = vector.broadcast %slice3A_429 : vector<128x1xf32> to vector<128x128xf32>
    %sub3A_719 = arith.subf %sub3A_718, %slice3A_717 : vector<128x128xf32>
    %slice3A_720 = vector.extract_strided_slice %get3A_14 {offsets = [2816], sizes = [128], strides = [1]} : vector<4096xf32> to vector<128xf32>
    %broadcast_in_dim3A_721 = vector.shape_cast %slice3A_720 : vector<128xf32> to vector<1x128xf32>
    %add3A_722 = vector.broadcast %broadcast_in_dim3A_721 : vector<1x128xf32> to vector<128x128xf32>
    %add3A_723 = arith.addf %sub3A_719, %add3A_722 : vector<128x128xf32>
    %broadcast_in_dim3A_724 = arith.constant 2.816000e+03 : f32
    %broadcast_in_dim3A_725 = vector.broadcast %broadcast_in_dim3A_724 : f32 to vector<128x128xf32>
    %slice3A_726 = vector.extract_strided_slice %dot_general3A_10 {offsets = [128, 2944], sizes = [128, 128], strides = [1, 1]} : vector<512x4096xf32> to vector<128x128xf32>
    %sub3A_727 = vector.broadcast %slice3A_429 : vector<128x1xf32> to vector<128x128xf32>
    %sub3A_728 = arith.subf %sub3A_727, %slice3A_726 : vector<128x128xf32>
    %slice3A_729 = vector.extract_strided_slice %get3A_14 {offsets = [2944], sizes = [128], strides = [1]} : vector<4096xf32> to vector<128xf32>
    %broadcast_in_dim3A_730 = vector.shape_cast %slice3A_729 : vector<128xf32> to vector<1x128xf32>
    %add3A_731 = vector.broadcast %broadcast_in_dim3A_730 : vector<1x128xf32> to vector<128x128xf32>
    %add3A_732 = arith.addf %sub3A_728, %add3A_731 : vector<128x128xf32>
    %lt3A_733 = arith.cmpf olt, %add3A_732, %add3A_723 : vector<128x128xf32>
    %select_n3A_734 = arith.select %lt3A_733, %add3A_732, %add3A_723 : vector<128x128xi1>, vector<128x128xf32>
    %jit3A_735 = arith.constant 2.944000e+03 : f32
    %broadcast_in_dim3A_736 = vector.broadcast %jit3A_735 : f32 to vector<128x128xf32>
    %select_n3A_737 = arith.select %lt3A_733, %broadcast_in_dim3A_736, %broadcast_in_dim3A_725 : vector<128x128xi1>, vector<128x128xf32>
    %slice3A_738 = vector.extract_strided_slice %dot_general3A_10 {offsets = [128, 3072], sizes = [128, 128], strides = [1, 1]} : vector<512x4096xf32> to vector<128x128xf32>
    %sub3A_739 = vector.broadcast %slice3A_429 : vector<128x1xf32> to vector<128x128xf32>
    %sub3A_740 = arith.subf %sub3A_739, %slice3A_738 : vector<128x128xf32>
    %slice3A_741 = vector.extract_strided_slice %get3A_14 {offsets = [3072], sizes = [128], strides = [1]} : vector<4096xf32> to vector<128xf32>
    %broadcast_in_dim3A_742 = vector.shape_cast %slice3A_741 : vector<128xf32> to vector<1x128xf32>
    %add3A_743 = vector.broadcast %broadcast_in_dim3A_742 : vector<1x128xf32> to vector<128x128xf32>
    %add3A_744 = arith.addf %sub3A_740, %add3A_743 : vector<128x128xf32>
    %lt3A_745 = arith.cmpf olt, %add3A_744, %select_n3A_734 : vector<128x128xf32>
    %select_n3A_746 = arith.select %lt3A_745, %add3A_744, %select_n3A_734 : vector<128x128xi1>, vector<128x128xf32>
    %jit3A_747 = arith.constant 3.072000e+03 : f32
    %broadcast_in_dim3A_748 = vector.broadcast %jit3A_747 : f32 to vector<128x128xf32>
    %select_n3A_749 = arith.select %lt3A_745, %broadcast_in_dim3A_748, %select_n3A_737 : vector<128x128xi1>, vector<128x128xf32>
    %slice3A_750 = vector.extract_strided_slice %dot_general3A_10 {offsets = [128, 3200], sizes = [128, 128], strides = [1, 1]} : vector<512x4096xf32> to vector<128x128xf32>
    %sub3A_751 = vector.broadcast %slice3A_429 : vector<128x1xf32> to vector<128x128xf32>
    %sub3A_752 = arith.subf %sub3A_751, %slice3A_750 : vector<128x128xf32>
    %slice3A_753 = vector.extract_strided_slice %get3A_14 {offsets = [3200], sizes = [128], strides = [1]} : vector<4096xf32> to vector<128xf32>
    %broadcast_in_dim3A_754 = vector.shape_cast %slice3A_753 : vector<128xf32> to vector<1x128xf32>
    %add3A_755 = vector.broadcast %broadcast_in_dim3A_754 : vector<1x128xf32> to vector<128x128xf32>
    %add3A_756 = arith.addf %sub3A_752, %add3A_755 : vector<128x128xf32>
    %lt3A_757 = arith.cmpf olt, %add3A_756, %select_n3A_746 : vector<128x128xf32>
    %select_n3A_758 = arith.select %lt3A_757, %add3A_756, %select_n3A_746 : vector<128x128xi1>, vector<128x128xf32>
    %jit3A_759 = arith.constant 3.200000e+03 : f32
    %broadcast_in_dim3A_760 = vector.broadcast %jit3A_759 : f32 to vector<128x128xf32>
    %select_n3A_761 = arith.select %lt3A_757, %broadcast_in_dim3A_760, %select_n3A_749 : vector<128x128xi1>, vector<128x128xf32>
    %slice3A_762 = vector.extract_strided_slice %dot_general3A_10 {offsets = [128, 3328], sizes = [128, 128], strides = [1, 1]} : vector<512x4096xf32> to vector<128x128xf32>
    %sub3A_763 = vector.broadcast %slice3A_429 : vector<128x1xf32> to vector<128x128xf32>
    %sub3A_764 = arith.subf %sub3A_763, %slice3A_762 : vector<128x128xf32>
    %slice3A_765 = vector.extract_strided_slice %get3A_14 {offsets = [3328], sizes = [128], strides = [1]} : vector<4096xf32> to vector<128xf32>
    %broadcast_in_dim3A_766 = vector.shape_cast %slice3A_765 : vector<128xf32> to vector<1x128xf32>
    %add3A_767 = vector.broadcast %broadcast_in_dim3A_766 : vector<1x128xf32> to vector<128x128xf32>
    %add3A_768 = arith.addf %sub3A_764, %add3A_767 : vector<128x128xf32>
    %lt3A_769 = arith.cmpf olt, %add3A_768, %select_n3A_758 : vector<128x128xf32>
    %select_n3A_770 = arith.select %lt3A_769, %add3A_768, %select_n3A_758 : vector<128x128xi1>, vector<128x128xf32>
    %jit3A_771 = arith.constant 3.328000e+03 : f32
    %broadcast_in_dim3A_772 = vector.broadcast %jit3A_771 : f32 to vector<128x128xf32>
    %select_n3A_773 = arith.select %lt3A_769, %broadcast_in_dim3A_772, %select_n3A_761 : vector<128x128xi1>, vector<128x128xf32>
    %slice3A_774 = vector.extract_strided_slice %dot_general3A_10 {offsets = [128, 3456], sizes = [128, 128], strides = [1, 1]} : vector<512x4096xf32> to vector<128x128xf32>
    %sub3A_775 = vector.broadcast %slice3A_429 : vector<128x1xf32> to vector<128x128xf32>
    %sub3A_776 = arith.subf %sub3A_775, %slice3A_774 : vector<128x128xf32>
    %slice3A_777 = vector.extract_strided_slice %get3A_14 {offsets = [3456], sizes = [128], strides = [1]} : vector<4096xf32> to vector<128xf32>
    %broadcast_in_dim3A_778 = vector.shape_cast %slice3A_777 : vector<128xf32> to vector<1x128xf32>
    %add3A_779 = vector.broadcast %broadcast_in_dim3A_778 : vector<1x128xf32> to vector<128x128xf32>
    %add3A_780 = arith.addf %sub3A_776, %add3A_779 : vector<128x128xf32>
    %lt3A_781 = arith.cmpf olt, %add3A_780, %select_n3A_770 : vector<128x128xf32>
    %select_n3A_782 = arith.select %lt3A_781, %add3A_780, %select_n3A_770 : vector<128x128xi1>, vector<128x128xf32>
    %jit3A_783 = arith.constant 3.456000e+03 : f32
    %broadcast_in_dim3A_784 = vector.broadcast %jit3A_783 : f32 to vector<128x128xf32>
    %select_n3A_785 = arith.select %lt3A_781, %broadcast_in_dim3A_784, %select_n3A_773 : vector<128x128xi1>, vector<128x128xf32>
    %slice3A_786 = vector.extract_strided_slice %dot_general3A_10 {offsets = [128, 3584], sizes = [128, 128], strides = [1, 1]} : vector<512x4096xf32> to vector<128x128xf32>
    %sub3A_787 = vector.broadcast %slice3A_429 : vector<128x1xf32> to vector<128x128xf32>
    %sub3A_788 = arith.subf %sub3A_787, %slice3A_786 : vector<128x128xf32>
    %slice3A_789 = vector.extract_strided_slice %get3A_14 {offsets = [3584], sizes = [128], strides = [1]} : vector<4096xf32> to vector<128xf32>
    %broadcast_in_dim3A_790 = vector.shape_cast %slice3A_789 : vector<128xf32> to vector<1x128xf32>
    %add3A_791 = vector.broadcast %broadcast_in_dim3A_790 : vector<1x128xf32> to vector<128x128xf32>
    %add3A_792 = arith.addf %sub3A_788, %add3A_791 : vector<128x128xf32>
    %lt3A_793 = arith.cmpf olt, %add3A_792, %select_n3A_782 : vector<128x128xf32>
    %select_n3A_794 = arith.select %lt3A_793, %add3A_792, %select_n3A_782 : vector<128x128xi1>, vector<128x128xf32>
    %jit3A_795 = arith.constant 3.584000e+03 : f32
    %broadcast_in_dim3A_796 = vector.broadcast %jit3A_795 : f32 to vector<128x128xf32>
    %select_n3A_797 = arith.select %lt3A_793, %broadcast_in_dim3A_796, %select_n3A_785 : vector<128x128xi1>, vector<128x128xf32>
    %slice3A_798 = vector.extract_strided_slice %dot_general3A_10 {offsets = [128, 3712], sizes = [128, 128], strides = [1, 1]} : vector<512x4096xf32> to vector<128x128xf32>
    %sub3A_799 = vector.broadcast %slice3A_429 : vector<128x1xf32> to vector<128x128xf32>
    %sub3A_800 = arith.subf %sub3A_799, %slice3A_798 : vector<128x128xf32>
    %slice3A_801 = vector.extract_strided_slice %get3A_14 {offsets = [3712], sizes = [128], strides = [1]} : vector<4096xf32> to vector<128xf32>
    %broadcast_in_dim3A_802 = vector.shape_cast %slice3A_801 : vector<128xf32> to vector<1x128xf32>
    %add3A_803 = vector.broadcast %broadcast_in_dim3A_802 : vector<1x128xf32> to vector<128x128xf32>
    %add3A_804 = arith.addf %sub3A_800, %add3A_803 : vector<128x128xf32>
    %lt3A_805 = arith.cmpf olt, %add3A_804, %select_n3A_794 : vector<128x128xf32>
    %select_n3A_806 = arith.select %lt3A_805, %add3A_804, %select_n3A_794 : vector<128x128xi1>, vector<128x128xf32>
    %jit3A_807 = arith.constant 3.712000e+03 : f32
    %broadcast_in_dim3A_808 = vector.broadcast %jit3A_807 : f32 to vector<128x128xf32>
    %select_n3A_809 = arith.select %lt3A_805, %broadcast_in_dim3A_808, %select_n3A_797 : vector<128x128xi1>, vector<128x128xf32>
    %slice3A_810 = vector.extract_strided_slice %dot_general3A_10 {offsets = [128, 3840], sizes = [128, 128], strides = [1, 1]} : vector<512x4096xf32> to vector<128x128xf32>
    %sub3A_811 = vector.broadcast %slice3A_429 : vector<128x1xf32> to vector<128x128xf32>
    %sub3A_812 = arith.subf %sub3A_811, %slice3A_810 : vector<128x128xf32>
    %slice3A_813 = vector.extract_strided_slice %get3A_14 {offsets = [3840], sizes = [128], strides = [1]} : vector<4096xf32> to vector<128xf32>
    %broadcast_in_dim3A_814 = vector.shape_cast %slice3A_813 : vector<128xf32> to vector<1x128xf32>
    %add3A_815 = vector.broadcast %broadcast_in_dim3A_814 : vector<1x128xf32> to vector<128x128xf32>
    %add3A_816 = arith.addf %sub3A_812, %add3A_815 : vector<128x128xf32>
    %lt3A_817 = arith.cmpf olt, %add3A_816, %select_n3A_806 : vector<128x128xf32>
    %select_n3A_818 = arith.select %lt3A_817, %add3A_816, %select_n3A_806 : vector<128x128xi1>, vector<128x128xf32>
    %jit3A_819 = arith.constant 3.840000e+03 : f32
    %broadcast_in_dim3A_820 = vector.broadcast %jit3A_819 : f32 to vector<128x128xf32>
    %select_n3A_821 = arith.select %lt3A_817, %broadcast_in_dim3A_820, %select_n3A_809 : vector<128x128xi1>, vector<128x128xf32>
    %slice3A_822 = vector.extract_strided_slice %dot_general3A_10 {offsets = [128, 3968], sizes = [128, 128], strides = [1, 1]} : vector<512x4096xf32> to vector<128x128xf32>
    %sub3A_823 = vector.broadcast %slice3A_429 : vector<128x1xf32> to vector<128x128xf32>
    %sub3A_824 = arith.subf %sub3A_823, %slice3A_822 : vector<128x128xf32>
    %slice3A_825 = vector.extract_strided_slice %get3A_14 {offsets = [3968], sizes = [128], strides = [1]} : vector<4096xf32> to vector<128xf32>
    %broadcast_in_dim3A_826 = vector.shape_cast %slice3A_825 : vector<128xf32> to vector<1x128xf32>
    %add3A_827 = vector.broadcast %broadcast_in_dim3A_826 : vector<1x128xf32> to vector<128x128xf32>
    %add3A_828 = arith.addf %sub3A_824, %add3A_827 : vector<128x128xf32>
    %lt3A_829 = arith.cmpf olt, %add3A_828, %select_n3A_818 : vector<128x128xf32>
    %select_n3A_830 = arith.select %lt3A_829, %add3A_828, %select_n3A_818 : vector<128x128xi1>, vector<128x128xf32>
    %jit3A_831 = arith.constant 3.968000e+03 : f32
    %broadcast_in_dim3A_832 = vector.broadcast %jit3A_831 : f32 to vector<128x128xf32>
    %select_n3A_833 = arith.select %lt3A_829, %broadcast_in_dim3A_832, %select_n3A_821 : vector<128x128xi1>, vector<128x128xf32>
    %reduce_min3A_834 = arith.constant dense<0x7F800000> : vector<128xf32>
    %reduce_min3A_835 = vector.multi_reduction <minimumf>, %select_n3A_830, %reduce_min3A_834 [1] : vector<128x128xf32> to vector<128xf32>
    %broadcast_in_dim3A_836 = vector.shape_cast %reduce_min3A_835 : vector<128xf32> to vector<128x1xf32>
    %eq3A_837 = vector.broadcast %broadcast_in_dim3A_836 : vector<128x1xf32> to vector<128x128xf32>
    %eq3A_838 = arith.cmpf oeq, %select_n3A_830, %eq3A_837 : vector<128x128xf32>
    %add3A_839 = arith.addf %select_n3A_833, %convert_element_type3A_15 : vector<128x128xf32>
    %jit3A_840 = arith.constant 4.096000e+03 : f32
    %broadcast_in_dim3A_841 = vector.broadcast %jit3A_840 : f32 to vector<128x128xf32>
    %select_n3A_842 = arith.select %eq3A_838, %add3A_839, %broadcast_in_dim3A_841 : vector<128x128xi1>, vector<128x128xf32>
    %reduce_min3A_843 = arith.constant dense<0x7F800000> : vector<128xf32>
    %reduce_min3A_844 = vector.multi_reduction <minimumf>, %select_n3A_842, %reduce_min3A_843 [1] : vector<128x128xf32> to vector<128xf32>
    %lt3A_845 = arith.cmpf olt, %reduce_min3A_835, %select_n3A_715 : vector<128xf32>
    %select_n3A_846 = arith.select %lt3A_845, %reduce_min3A_844, %select_n3A_716 : vector<128xi1>, vector<128xf32>
    %convert_element_type3A_847 = arith.fptosi %select_n3A_846 : vector<128xf32> to vector<128xi32>
    %swap3A_848 = arith.constant 128 : index
    %swap3A_849 = vector.load %arg5[%swap3A_848] : memref<512xi32, #tpu.memory_space<vmem>>, vector<128xi32>
    tpu.vector_store %arg5[%swap3A_848], %convert_element_type3A_847 {strides = array<i32>} : memref<512xi32, #tpu.memory_space<vmem>>, vector<128xi32>,
    %slice3A_850 = vector.extract_strided_slice %broadcast_in_dim3A {offsets = [256, 0], sizes = [128, 1], strides = [1, 1]} : vector<512x1xf32> to vector<128x1xf32>
    %slice3A_851 = vector.extract_strided_slice %dot_general3A_10 {offsets = [256, 0], sizes = [128, 128], strides = [1, 1]} : vector<512x4096xf32> to vector<128x128xf32>
    %sub3A_852 = vector.broadcast %slice3A_850 : vector<128x1xf32> to vector<128x128xf32>
    %sub3A_853 = arith.subf %sub3A_852, %slice3A_851 : vector<128x128xf32>
    %slice3A_854 = vector.extract_strided_slice %get3A_14 {offsets = [0], sizes = [128], strides = [1]} : vector<4096xf32> to vector<128xf32>
    %broadcast_in_dim3A_855 = vector.shape_cast %slice3A_854 : vector<128xf32> to vector<1x128xf32>
    %add3A_856 = vector.broadcast %broadcast_in_dim3A_855 : vector<1x128xf32> to vector<128x128xf32>
    %add3A_857 = arith.addf %sub3A_853, %add3A_856 : vector<128x128xf32>
    %broadcast_in_dim3A_858 = arith.constant 0.000000e+00 : f32
    %broadcast_in_dim3A_859 = vector.broadcast %broadcast_in_dim3A_858 : f32 to vector<128x128xf32>
    %slice3A_860 = vector.extract_strided_slice %dot_general3A_10 {offsets = [256, 128], sizes = [128, 128], strides = [1, 1]} : vector<512x4096xf32> to vector<128x128xf32>
    %sub3A_861 = vector.broadcast %slice3A_850 : vector<128x1xf32> to vector<128x128xf32>
    %sub3A_862 = arith.subf %sub3A_861, %slice3A_860 : vector<128x128xf32>
    %slice3A_863 = vector.extract_strided_slice %get3A_14 {offsets = [128], sizes = [128], strides = [1]} : vector<4096xf32> to vector<128xf32>
    %broadcast_in_dim3A_864 = vector.shape_cast %slice3A_863 : vector<128xf32> to vector<1x128xf32>
    %add3A_865 = vector.broadcast %broadcast_in_dim3A_864 : vector<1x128xf32> to vector<128x128xf32>
    %add3A_866 = arith.addf %sub3A_862, %add3A_865 : vector<128x128xf32>
    %lt3A_867 = arith.cmpf olt, %add3A_866, %add3A_857 : vector<128x128xf32>
    %select_n3A_868 = arith.select %lt3A_867, %add3A_866, %add3A_857 : vector<128x128xi1>, vector<128x128xf32>
    %jit3A_869 = arith.constant 1.280000e+02 : f32
    %broadcast_in_dim3A_870 = vector.broadcast %jit3A_869 : f32 to vector<128x128xf32>
    %select_n3A_871 = arith.select %lt3A_867, %broadcast_in_dim3A_870, %broadcast_in_dim3A_859 : vector<128x128xi1>, vector<128x128xf32>
    %slice3A_872 = vector.extract_strided_slice %dot_general3A_10 {offsets = [256, 256], sizes = [128, 128], strides = [1, 1]} : vector<512x4096xf32> to vector<128x128xf32>
    %sub3A_873 = vector.broadcast %slice3A_850 : vector<128x1xf32> to vector<128x128xf32>
    %sub3A_874 = arith.subf %sub3A_873, %slice3A_872 : vector<128x128xf32>
    %slice3A_875 = vector.extract_strided_slice %get3A_14 {offsets = [256], sizes = [128], strides = [1]} : vector<4096xf32> to vector<128xf32>
    %broadcast_in_dim3A_876 = vector.shape_cast %slice3A_875 : vector<128xf32> to vector<1x128xf32>
    %add3A_877 = vector.broadcast %broadcast_in_dim3A_876 : vector<1x128xf32> to vector<128x128xf32>
    %add3A_878 = arith.addf %sub3A_874, %add3A_877 : vector<128x128xf32>
    %lt3A_879 = arith.cmpf olt, %add3A_878, %select_n3A_868 : vector<128x128xf32>
    %select_n3A_880 = arith.select %lt3A_879, %add3A_878, %select_n3A_868 : vector<128x128xi1>, vector<128x128xf32>
    %jit3A_881 = arith.constant 2.560000e+02 : f32
    %broadcast_in_dim3A_882 = vector.broadcast %jit3A_881 : f32 to vector<128x128xf32>
    %select_n3A_883 = arith.select %lt3A_879, %broadcast_in_dim3A_882, %select_n3A_871 : vector<128x128xi1>, vector<128x128xf32>
    %slice3A_884 = vector.extract_strided_slice %dot_general3A_10 {offsets = [256, 384], sizes = [128, 128], strides = [1, 1]} : vector<512x4096xf32> to vector<128x128xf32>
    %sub3A_885 = vector.broadcast %slice3A_850 : vector<128x1xf32> to vector<128x128xf32>
    %sub3A_886 = arith.subf %sub3A_885, %slice3A_884 : vector<128x128xf32>
    %slice3A_887 = vector.extract_strided_slice %get3A_14 {offsets = [384], sizes = [128], strides = [1]} : vector<4096xf32> to vector<128xf32>
    %broadcast_in_dim3A_888 = vector.shape_cast %slice3A_887 : vector<128xf32> to vector<1x128xf32>
    %add3A_889 = vector.broadcast %broadcast_in_dim3A_888 : vector<1x128xf32> to vector<128x128xf32>
    %add3A_890 = arith.addf %sub3A_886, %add3A_889 : vector<128x128xf32>
    %lt3A_891 = arith.cmpf olt, %add3A_890, %select_n3A_880 : vector<128x128xf32>
    %select_n3A_892 = arith.select %lt3A_891, %add3A_890, %select_n3A_880 : vector<128x128xi1>, vector<128x128xf32>
    %jit3A_893 = arith.constant 3.840000e+02 : f32
    %broadcast_in_dim3A_894 = vector.broadcast %jit3A_893 : f32 to vector<128x128xf32>
    %select_n3A_895 = arith.select %lt3A_891, %broadcast_in_dim3A_894, %select_n3A_883 : vector<128x128xi1>, vector<128x128xf32>
    %slice3A_896 = vector.extract_strided_slice %dot_general3A_10 {offsets = [256, 512], sizes = [128, 128], strides = [1, 1]} : vector<512x4096xf32> to vector<128x128xf32>
    %sub3A_897 = vector.broadcast %slice3A_850 : vector<128x1xf32> to vector<128x128xf32>
    %sub3A_898 = arith.subf %sub3A_897, %slice3A_896 : vector<128x128xf32>
    %slice3A_899 = vector.extract_strided_slice %get3A_14 {offsets = [512], sizes = [128], strides = [1]} : vector<4096xf32> to vector<128xf32>
    %broadcast_in_dim3A_900 = vector.shape_cast %slice3A_899 : vector<128xf32> to vector<1x128xf32>
    %add3A_901 = vector.broadcast %broadcast_in_dim3A_900 : vector<1x128xf32> to vector<128x128xf32>
    %add3A_902 = arith.addf %sub3A_898, %add3A_901 : vector<128x128xf32>
    %lt3A_903 = arith.cmpf olt, %add3A_902, %select_n3A_892 : vector<128x128xf32>
    %select_n3A_904 = arith.select %lt3A_903, %add3A_902, %select_n3A_892 : vector<128x128xi1>, vector<128x128xf32>
    %jit3A_905 = arith.constant 5.120000e+02 : f32
    %broadcast_in_dim3A_906 = vector.broadcast %jit3A_905 : f32 to vector<128x128xf32>
    %select_n3A_907 = arith.select %lt3A_903, %broadcast_in_dim3A_906, %select_n3A_895 : vector<128x128xi1>, vector<128x128xf32>
    %slice3A_908 = vector.extract_strided_slice %dot_general3A_10 {offsets = [256, 640], sizes = [128, 128], strides = [1, 1]} : vector<512x4096xf32> to vector<128x128xf32>
    %sub3A_909 = vector.broadcast %slice3A_850 : vector<128x1xf32> to vector<128x128xf32>
    %sub3A_910 = arith.subf %sub3A_909, %slice3A_908 : vector<128x128xf32>
    %slice3A_911 = vector.extract_strided_slice %get3A_14 {offsets = [640], sizes = [128], strides = [1]} : vector<4096xf32> to vector<128xf32>
    %broadcast_in_dim3A_912 = vector.shape_cast %slice3A_911 : vector<128xf32> to vector<1x128xf32>
    %add3A_913 = vector.broadcast %broadcast_in_dim3A_912 : vector<1x128xf32> to vector<128x128xf32>
    %add3A_914 = arith.addf %sub3A_910, %add3A_913 : vector<128x128xf32>
    %lt3A_915 = arith.cmpf olt, %add3A_914, %select_n3A_904 : vector<128x128xf32>
    %select_n3A_916 = arith.select %lt3A_915, %add3A_914, %select_n3A_904 : vector<128x128xi1>, vector<128x128xf32>
    %jit3A_917 = arith.constant 6.400000e+02 : f32
    %broadcast_in_dim3A_918 = vector.broadcast %jit3A_917 : f32 to vector<128x128xf32>
    %select_n3A_919 = arith.select %lt3A_915, %broadcast_in_dim3A_918, %select_n3A_907 : vector<128x128xi1>, vector<128x128xf32>
    %slice3A_920 = vector.extract_strided_slice %dot_general3A_10 {offsets = [256, 768], sizes = [128, 128], strides = [1, 1]} : vector<512x4096xf32> to vector<128x128xf32>
    %sub3A_921 = vector.broadcast %slice3A_850 : vector<128x1xf32> to vector<128x128xf32>
    %sub3A_922 = arith.subf %sub3A_921, %slice3A_920 : vector<128x128xf32>
    %slice3A_923 = vector.extract_strided_slice %get3A_14 {offsets = [768], sizes = [128], strides = [1]} : vector<4096xf32> to vector<128xf32>
    %broadcast_in_dim3A_924 = vector.shape_cast %slice3A_923 : vector<128xf32> to vector<1x128xf32>
    %add3A_925 = vector.broadcast %broadcast_in_dim3A_924 : vector<1x128xf32> to vector<128x128xf32>
    %add3A_926 = arith.addf %sub3A_922, %add3A_925 : vector<128x128xf32>
    %lt3A_927 = arith.cmpf olt, %add3A_926, %select_n3A_916 : vector<128x128xf32>
    %select_n3A_928 = arith.select %lt3A_927, %add3A_926, %select_n3A_916 : vector<128x128xi1>, vector<128x128xf32>
    %jit3A_929 = arith.constant 7.680000e+02 : f32
    %broadcast_in_dim3A_930 = vector.broadcast %jit3A_929 : f32 to vector<128x128xf32>
    %select_n3A_931 = arith.select %lt3A_927, %broadcast_in_dim3A_930, %select_n3A_919 : vector<128x128xi1>, vector<128x128xf32>
    %slice3A_932 = vector.extract_strided_slice %dot_general3A_10 {offsets = [256, 896], sizes = [128, 128], strides = [1, 1]} : vector<512x4096xf32> to vector<128x128xf32>
    %sub3A_933 = vector.broadcast %slice3A_850 : vector<128x1xf32> to vector<128x128xf32>
    %sub3A_934 = arith.subf %sub3A_933, %slice3A_932 : vector<128x128xf32>
    %slice3A_935 = vector.extract_strided_slice %get3A_14 {offsets = [896], sizes = [128], strides = [1]} : vector<4096xf32> to vector<128xf32>
    %broadcast_in_dim3A_936 = vector.shape_cast %slice3A_935 : vector<128xf32> to vector<1x128xf32>
    %add3A_937 = vector.broadcast %broadcast_in_dim3A_936 : vector<1x128xf32> to vector<128x128xf32>
    %add3A_938 = arith.addf %sub3A_934, %add3A_937 : vector<128x128xf32>
    %lt3A_939 = arith.cmpf olt, %add3A_938, %select_n3A_928 : vector<128x128xf32>
    %select_n3A_940 = arith.select %lt3A_939, %add3A_938, %select_n3A_928 : vector<128x128xi1>, vector<128x128xf32>
    %jit3A_941 = arith.constant 8.960000e+02 : f32
    %broadcast_in_dim3A_942 = vector.broadcast %jit3A_941 : f32 to vector<128x128xf32>
    %select_n3A_943 = arith.select %lt3A_939, %broadcast_in_dim3A_942, %select_n3A_931 : vector<128x128xi1>, vector<128x128xf32>
    %slice3A_944 = vector.extract_strided_slice %dot_general3A_10 {offsets = [256, 1024], sizes = [128, 128], strides = [1, 1]} : vector<512x4096xf32> to vector<128x128xf32>
    %sub3A_945 = vector.broadcast %slice3A_850 : vector<128x1xf32> to vector<128x128xf32>
    %sub3A_946 = arith.subf %sub3A_945, %slice3A_944 : vector<128x128xf32>
    %slice3A_947 = vector.extract_strided_slice %get3A_14 {offsets = [1024], sizes = [128], strides = [1]} : vector<4096xf32> to vector<128xf32>
    %broadcast_in_dim3A_948 = vector.shape_cast %slice3A_947 : vector<128xf32> to vector<1x128xf32>
    %add3A_949 = vector.broadcast %broadcast_in_dim3A_948 : vector<1x128xf32> to vector<128x128xf32>
    %add3A_950 = arith.addf %sub3A_946, %add3A_949 : vector<128x128xf32>
    %lt3A_951 = arith.cmpf olt, %add3A_950, %select_n3A_940 : vector<128x128xf32>
    %select_n3A_952 = arith.select %lt3A_951, %add3A_950, %select_n3A_940 : vector<128x128xi1>, vector<128x128xf32>
    %jit3A_953 = arith.constant 1.024000e+03 : f32
    %broadcast_in_dim3A_954 = vector.broadcast %jit3A_953 : f32 to vector<128x128xf32>
    %select_n3A_955 = arith.select %lt3A_951, %broadcast_in_dim3A_954, %select_n3A_943 : vector<128x128xi1>, vector<128x128xf32>
    %slice3A_956 = vector.extract_strided_slice %dot_general3A_10 {offsets = [256, 1152], sizes = [128, 128], strides = [1, 1]} : vector<512x4096xf32> to vector<128x128xf32>
    %sub3A_957 = vector.broadcast %slice3A_850 : vector<128x1xf32> to vector<128x128xf32>
    %sub3A_958 = arith.subf %sub3A_957, %slice3A_956 : vector<128x128xf32>
    %slice3A_959 = vector.extract_strided_slice %get3A_14 {offsets = [1152], sizes = [128], strides = [1]} : vector<4096xf32> to vector<128xf32>
    %broadcast_in_dim3A_960 = vector.shape_cast %slice3A_959 : vector<128xf32> to vector<1x128xf32>
    %add3A_961 = vector.broadcast %broadcast_in_dim3A_960 : vector<1x128xf32> to vector<128x128xf32>
    %add3A_962 = arith.addf %sub3A_958, %add3A_961 : vector<128x128xf32>
    %lt3A_963 = arith.cmpf olt, %add3A_962, %select_n3A_952 : vector<128x128xf32>
    %select_n3A_964 = arith.select %lt3A_963, %add3A_962, %select_n3A_952 : vector<128x128xi1>, vector<128x128xf32>
    %jit3A_965 = arith.constant 1.152000e+03 : f32
    %broadcast_in_dim3A_966 = vector.broadcast %jit3A_965 : f32 to vector<128x128xf32>
    %select_n3A_967 = arith.select %lt3A_963, %broadcast_in_dim3A_966, %select_n3A_955 : vector<128x128xi1>, vector<128x128xf32>
    %slice3A_968 = vector.extract_strided_slice %dot_general3A_10 {offsets = [256, 1280], sizes = [128, 128], strides = [1, 1]} : vector<512x4096xf32> to vector<128x128xf32>
    %sub3A_969 = vector.broadcast %slice3A_850 : vector<128x1xf32> to vector<128x128xf32>
    %sub3A_970 = arith.subf %sub3A_969, %slice3A_968 : vector<128x128xf32>
    %slice3A_971 = vector.extract_strided_slice %get3A_14 {offsets = [1280], sizes = [128], strides = [1]} : vector<4096xf32> to vector<128xf32>
    %broadcast_in_dim3A_972 = vector.shape_cast %slice3A_971 : vector<128xf32> to vector<1x128xf32>
    %add3A_973 = vector.broadcast %broadcast_in_dim3A_972 : vector<1x128xf32> to vector<128x128xf32>
    %add3A_974 = arith.addf %sub3A_970, %add3A_973 : vector<128x128xf32>
    %lt3A_975 = arith.cmpf olt, %add3A_974, %select_n3A_964 : vector<128x128xf32>
    %select_n3A_976 = arith.select %lt3A_975, %add3A_974, %select_n3A_964 : vector<128x128xi1>, vector<128x128xf32>
    %jit3A_977 = arith.constant 1.280000e+03 : f32
    %broadcast_in_dim3A_978 = vector.broadcast %jit3A_977 : f32 to vector<128x128xf32>
    %select_n3A_979 = arith.select %lt3A_975, %broadcast_in_dim3A_978, %select_n3A_967 : vector<128x128xi1>, vector<128x128xf32>
    %reduce_min3A_980 = arith.constant dense<0x7F800000> : vector<128xf32>
    %reduce_min3A_981 = vector.multi_reduction <minimumf>, %select_n3A_976, %reduce_min3A_980 [1] : vector<128x128xf32> to vector<128xf32>
    %broadcast_in_dim3A_982 = vector.shape_cast %reduce_min3A_981 : vector<128xf32> to vector<128x1xf32>
    %eq3A_983 = vector.broadcast %broadcast_in_dim3A_982 : vector<128x1xf32> to vector<128x128xf32>
    %eq3A_984 = arith.cmpf oeq, %select_n3A_976, %eq3A_983 : vector<128x128xf32>
    %add3A_985 = arith.addf %select_n3A_979, %convert_element_type3A_15 : vector<128x128xf32>
    %jit3A_986 = arith.constant 4.096000e+03 : f32
    %broadcast_in_dim3A_987 = vector.broadcast %jit3A_986 : f32 to vector<128x128xf32>
    %select_n3A_988 = arith.select %eq3A_984, %add3A_985, %broadcast_in_dim3A_987 : vector<128x128xi1>, vector<128x128xf32>
    %reduce_min3A_989 = arith.constant dense<0x7F800000> : vector<128xf32>
    %reduce_min3A_990 = vector.multi_reduction <minimumf>, %select_n3A_988, %reduce_min3A_989 [1] : vector<128x128xf32> to vector<128xf32>
    %convert_element_type3A_991 = arith.truncf %reduce_min3A_981 : vector<128xf32> to vector<128xbf16>
    %convert_element_type3A_992 = arith.extf %convert_element_type3A_991 : vector<128xbf16> to vector<128xf32>
    %slice3A_993 = vector.extract_strided_slice %dot_general3A_10 {offsets = [256, 1408], sizes = [128, 128], strides = [1, 1]} : vector<512x4096xf32> to vector<128x128xf32>
    %sub3A_994 = vector.broadcast %slice3A_850 : vector<128x1xf32> to vector<128x128xf32>
    %sub3A_995 = arith.subf %sub3A_994, %slice3A_993 : vector<128x128xf32>
    %slice3A_996 = vector.extract_strided_slice %get3A_14 {offsets = [1408], sizes = [128], strides = [1]} : vector<4096xf32> to vector<128xf32>
    %broadcast_in_dim3A_997 = vector.shape_cast %slice3A_996 : vector<128xf32> to vector<1x128xf32>
    %add3A_998 = vector.broadcast %broadcast_in_dim3A_997 : vector<1x128xf32> to vector<128x128xf32>
    %add3A_999 = arith.addf %sub3A_995, %add3A_998 : vector<128x128xf32>
    %broadcast_in_dim3A_1000 = arith.constant 1.408000e+03 : f32
    %broadcast_in_dim3A_1001 = vector.broadcast %broadcast_in_dim3A_1000 : f32 to vector<128x128xf32>
    %slice3A_1002 = vector.extract_strided_slice %dot_general3A_10 {offsets = [256, 1536], sizes = [128, 128], strides = [1, 1]} : vector<512x4096xf32> to vector<128x128xf32>
    %sub3A_1003 = vector.broadcast %slice3A_850 : vector<128x1xf32> to vector<128x128xf32>
    %sub3A_1004 = arith.subf %sub3A_1003, %slice3A_1002 : vector<128x128xf32>
    %slice3A_1005 = vector.extract_strided_slice %get3A_14 {offsets = [1536], sizes = [128], strides = [1]} : vector<4096xf32> to vector<128xf32>
    %broadcast_in_dim3A_1006 = vector.shape_cast %slice3A_1005 : vector<128xf32> to vector<1x128xf32>
    %add3A_1007 = vector.broadcast %broadcast_in_dim3A_1006 : vector<1x128xf32> to vector<128x128xf32>
    %add3A_1008 = arith.addf %sub3A_1004, %add3A_1007 : vector<128x128xf32>
    %lt3A_1009 = arith.cmpf olt, %add3A_1008, %add3A_999 : vector<128x128xf32>
    %select_n3A_1010 = arith.select %lt3A_1009, %add3A_1008, %add3A_999 : vector<128x128xi1>, vector<128x128xf32>
    %jit3A_1011 = arith.constant 1.536000e+03 : f32
    %broadcast_in_dim3A_1012 = vector.broadcast %jit3A_1011 : f32 to vector<128x128xf32>
    %select_n3A_1013 = arith.select %lt3A_1009, %broadcast_in_dim3A_1012, %broadcast_in_dim3A_1001 : vector<128x128xi1>, vector<128x128xf32>
    %slice3A_1014 = vector.extract_strided_slice %dot_general3A_10 {offsets = [256, 1664], sizes = [128, 128], strides = [1, 1]} : vector<512x4096xf32> to vector<128x128xf32>
    %sub3A_1015 = vector.broadcast %slice3A_850 : vector<128x1xf32> to vector<128x128xf32>
    %sub3A_1016 = arith.subf %sub3A_1015, %slice3A_1014 : vector<128x128xf32>
    %slice3A_1017 = vector.extract_strided_slice %get3A_14 {offsets = [1664], sizes = [128], strides = [1]} : vector<4096xf32> to vector<128xf32>
    %broadcast_in_dim3A_1018 = vector.shape_cast %slice3A_1017 : vector<128xf32> to vector<1x128xf32>
    %add3A_1019 = vector.broadcast %broadcast_in_dim3A_1018 : vector<1x128xf32> to vector<128x128xf32>
    %add3A_1020 = arith.addf %sub3A_1016, %add3A_1019 : vector<128x128xf32>
    %lt3A_1021 = arith.cmpf olt, %add3A_1020, %select_n3A_1010 : vector<128x128xf32>
    %select_n3A_1022 = arith.select %lt3A_1021, %add3A_1020, %select_n3A_1010 : vector<128x128xi1>, vector<128x128xf32>
    %jit3A_1023 = arith.constant 1.664000e+03 : f32
    %broadcast_in_dim3A_1024 = vector.broadcast %jit3A_1023 : f32 to vector<128x128xf32>
    %select_n3A_1025 = arith.select %lt3A_1021, %broadcast_in_dim3A_1024, %select_n3A_1013 : vector<128x128xi1>, vector<128x128xf32>
    %slice3A_1026 = vector.extract_strided_slice %dot_general3A_10 {offsets = [256, 1792], sizes = [128, 128], strides = [1, 1]} : vector<512x4096xf32> to vector<128x128xf32>
    %sub3A_1027 = vector.broadcast %slice3A_850 : vector<128x1xf32> to vector<128x128xf32>
    %sub3A_1028 = arith.subf %sub3A_1027, %slice3A_1026 : vector<128x128xf32>
    %slice3A_1029 = vector.extract_strided_slice %get3A_14 {offsets = [1792], sizes = [128], strides = [1]} : vector<4096xf32> to vector<128xf32>
    %broadcast_in_dim3A_1030 = vector.shape_cast %slice3A_1029 : vector<128xf32> to vector<1x128xf32>
    %add3A_1031 = vector.broadcast %broadcast_in_dim3A_1030 : vector<1x128xf32> to vector<128x128xf32>
    %add3A_1032 = arith.addf %sub3A_1028, %add3A_1031 : vector<128x128xf32>
    %lt3A_1033 = arith.cmpf olt, %add3A_1032, %select_n3A_1022 : vector<128x128xf32>
    %select_n3A_1034 = arith.select %lt3A_1033, %add3A_1032, %select_n3A_1022 : vector<128x128xi1>, vector<128x128xf32>
    %jit3A_1035 = arith.constant 1.792000e+03 : f32
    %broadcast_in_dim3A_1036 = vector.broadcast %jit3A_1035 : f32 to vector<128x128xf32>
    %select_n3A_1037 = arith.select %lt3A_1033, %broadcast_in_dim3A_1036, %select_n3A_1025 : vector<128x128xi1>, vector<128x128xf32>
    %slice3A_1038 = vector.extract_strided_slice %dot_general3A_10 {offsets = [256, 1920], sizes = [128, 128], strides = [1, 1]} : vector<512x4096xf32> to vector<128x128xf32>
    %sub3A_1039 = vector.broadcast %slice3A_850 : vector<128x1xf32> to vector<128x128xf32>
    %sub3A_1040 = arith.subf %sub3A_1039, %slice3A_1038 : vector<128x128xf32>
    %slice3A_1041 = vector.extract_strided_slice %get3A_14 {offsets = [1920], sizes = [128], strides = [1]} : vector<4096xf32> to vector<128xf32>
    %broadcast_in_dim3A_1042 = vector.shape_cast %slice3A_1041 : vector<128xf32> to vector<1x128xf32>
    %add3A_1043 = vector.broadcast %broadcast_in_dim3A_1042 : vector<1x128xf32> to vector<128x128xf32>
    %add3A_1044 = arith.addf %sub3A_1040, %add3A_1043 : vector<128x128xf32>
    %lt3A_1045 = arith.cmpf olt, %add3A_1044, %select_n3A_1034 : vector<128x128xf32>
    %select_n3A_1046 = arith.select %lt3A_1045, %add3A_1044, %select_n3A_1034 : vector<128x128xi1>, vector<128x128xf32>
    %jit3A_1047 = arith.constant 1.920000e+03 : f32
    %broadcast_in_dim3A_1048 = vector.broadcast %jit3A_1047 : f32 to vector<128x128xf32>
    %select_n3A_1049 = arith.select %lt3A_1045, %broadcast_in_dim3A_1048, %select_n3A_1037 : vector<128x128xi1>, vector<128x128xf32>
    %slice3A_1050 = vector.extract_strided_slice %dot_general3A_10 {offsets = [256, 2048], sizes = [128, 128], strides = [1, 1]} : vector<512x4096xf32> to vector<128x128xf32>
    %sub3A_1051 = vector.broadcast %slice3A_850 : vector<128x1xf32> to vector<128x128xf32>
    %sub3A_1052 = arith.subf %sub3A_1051, %slice3A_1050 : vector<128x128xf32>
    %slice3A_1053 = vector.extract_strided_slice %get3A_14 {offsets = [2048], sizes = [128], strides = [1]} : vector<4096xf32> to vector<128xf32>
    %broadcast_in_dim3A_1054 = vector.shape_cast %slice3A_1053 : vector<128xf32> to vector<1x128xf32>
    %add3A_1055 = vector.broadcast %broadcast_in_dim3A_1054 : vector<1x128xf32> to vector<128x128xf32>
    %add3A_1056 = arith.addf %sub3A_1052, %add3A_1055 : vector<128x128xf32>
    %lt3A_1057 = arith.cmpf olt, %add3A_1056, %select_n3A_1046 : vector<128x128xf32>
    %select_n3A_1058 = arith.select %lt3A_1057, %add3A_1056, %select_n3A_1046 : vector<128x128xi1>, vector<128x128xf32>
    %jit3A_1059 = arith.constant 2.048000e+03 : f32
    %broadcast_in_dim3A_1060 = vector.broadcast %jit3A_1059 : f32 to vector<128x128xf32>
    %select_n3A_1061 = arith.select %lt3A_1057, %broadcast_in_dim3A_1060, %select_n3A_1049 : vector<128x128xi1>, vector<128x128xf32>
    %slice3A_1062 = vector.extract_strided_slice %dot_general3A_10 {offsets = [256, 2176], sizes = [128, 128], strides = [1, 1]} : vector<512x4096xf32> to vector<128x128xf32>
    %sub3A_1063 = vector.broadcast %slice3A_850 : vector<128x1xf32> to vector<128x128xf32>
    %sub3A_1064 = arith.subf %sub3A_1063, %slice3A_1062 : vector<128x128xf32>
    %slice3A_1065 = vector.extract_strided_slice %get3A_14 {offsets = [2176], sizes = [128], strides = [1]} : vector<4096xf32> to vector<128xf32>
    %broadcast_in_dim3A_1066 = vector.shape_cast %slice3A_1065 : vector<128xf32> to vector<1x128xf32>
    %add3A_1067 = vector.broadcast %broadcast_in_dim3A_1066 : vector<1x128xf32> to vector<128x128xf32>
    %add3A_1068 = arith.addf %sub3A_1064, %add3A_1067 : vector<128x128xf32>
    %lt3A_1069 = arith.cmpf olt, %add3A_1068, %select_n3A_1058 : vector<128x128xf32>
    %select_n3A_1070 = arith.select %lt3A_1069, %add3A_1068, %select_n3A_1058 : vector<128x128xi1>, vector<128x128xf32>
    %jit3A_1071 = arith.constant 2.176000e+03 : f32
    %broadcast_in_dim3A_1072 = vector.broadcast %jit3A_1071 : f32 to vector<128x128xf32>
    %select_n3A_1073 = arith.select %lt3A_1069, %broadcast_in_dim3A_1072, %select_n3A_1061 : vector<128x128xi1>, vector<128x128xf32>
    %slice3A_1074 = vector.extract_strided_slice %dot_general3A_10 {offsets = [256, 2304], sizes = [128, 128], strides = [1, 1]} : vector<512x4096xf32> to vector<128x128xf32>
    %sub3A_1075 = vector.broadcast %slice3A_850 : vector<128x1xf32> to vector<128x128xf32>
    %sub3A_1076 = arith.subf %sub3A_1075, %slice3A_1074 : vector<128x128xf32>
    %slice3A_1077 = vector.extract_strided_slice %get3A_14 {offsets = [2304], sizes = [128], strides = [1]} : vector<4096xf32> to vector<128xf32>
    %broadcast_in_dim3A_1078 = vector.shape_cast %slice3A_1077 : vector<128xf32> to vector<1x128xf32>
    %add3A_1079 = vector.broadcast %broadcast_in_dim3A_1078 : vector<1x128xf32> to vector<128x128xf32>
    %add3A_1080 = arith.addf %sub3A_1076, %add3A_1079 : vector<128x128xf32>
    %lt3A_1081 = arith.cmpf olt, %add3A_1080, %select_n3A_1070 : vector<128x128xf32>
    %select_n3A_1082 = arith.select %lt3A_1081, %add3A_1080, %select_n3A_1070 : vector<128x128xi1>, vector<128x128xf32>
    %jit3A_1083 = arith.constant 2.304000e+03 : f32
    %broadcast_in_dim3A_1084 = vector.broadcast %jit3A_1083 : f32 to vector<128x128xf32>
    %select_n3A_1085 = arith.select %lt3A_1081, %broadcast_in_dim3A_1084, %select_n3A_1073 : vector<128x128xi1>, vector<128x128xf32>
    %slice3A_1086 = vector.extract_strided_slice %dot_general3A_10 {offsets = [256, 2432], sizes = [128, 128], strides = [1, 1]} : vector<512x4096xf32> to vector<128x128xf32>
    %sub3A_1087 = vector.broadcast %slice3A_850 : vector<128x1xf32> to vector<128x128xf32>
    %sub3A_1088 = arith.subf %sub3A_1087, %slice3A_1086 : vector<128x128xf32>
    %slice3A_1089 = vector.extract_strided_slice %get3A_14 {offsets = [2432], sizes = [128], strides = [1]} : vector<4096xf32> to vector<128xf32>
    %broadcast_in_dim3A_1090 = vector.shape_cast %slice3A_1089 : vector<128xf32> to vector<1x128xf32>
    %add3A_1091 = vector.broadcast %broadcast_in_dim3A_1090 : vector<1x128xf32> to vector<128x128xf32>
    %add3A_1092 = arith.addf %sub3A_1088, %add3A_1091 : vector<128x128xf32>
    %lt3A_1093 = arith.cmpf olt, %add3A_1092, %select_n3A_1082 : vector<128x128xf32>
    %select_n3A_1094 = arith.select %lt3A_1093, %add3A_1092, %select_n3A_1082 : vector<128x128xi1>, vector<128x128xf32>
    %jit3A_1095 = arith.constant 2.432000e+03 : f32
    %broadcast_in_dim3A_1096 = vector.broadcast %jit3A_1095 : f32 to vector<128x128xf32>
    %select_n3A_1097 = arith.select %lt3A_1093, %broadcast_in_dim3A_1096, %select_n3A_1085 : vector<128x128xi1>, vector<128x128xf32>
    %slice3A_1098 = vector.extract_strided_slice %dot_general3A_10 {offsets = [256, 2560], sizes = [128, 128], strides = [1, 1]} : vector<512x4096xf32> to vector<128x128xf32>
    %sub3A_1099 = vector.broadcast %slice3A_850 : vector<128x1xf32> to vector<128x128xf32>
    %sub3A_1100 = arith.subf %sub3A_1099, %slice3A_1098 : vector<128x128xf32>
    %slice3A_1101 = vector.extract_strided_slice %get3A_14 {offsets = [2560], sizes = [128], strides = [1]} : vector<4096xf32> to vector<128xf32>
    %broadcast_in_dim3A_1102 = vector.shape_cast %slice3A_1101 : vector<128xf32> to vector<1x128xf32>
    %add3A_1103 = vector.broadcast %broadcast_in_dim3A_1102 : vector<1x128xf32> to vector<128x128xf32>
    %add3A_1104 = arith.addf %sub3A_1100, %add3A_1103 : vector<128x128xf32>
    %lt3A_1105 = arith.cmpf olt, %add3A_1104, %select_n3A_1094 : vector<128x128xf32>
    %select_n3A_1106 = arith.select %lt3A_1105, %add3A_1104, %select_n3A_1094 : vector<128x128xi1>, vector<128x128xf32>
    %jit3A_1107 = arith.constant 2.560000e+03 : f32
    %broadcast_in_dim3A_1108 = vector.broadcast %jit3A_1107 : f32 to vector<128x128xf32>
    %select_n3A_1109 = arith.select %lt3A_1105, %broadcast_in_dim3A_1108, %select_n3A_1097 : vector<128x128xi1>, vector<128x128xf32>
    %slice3A_1110 = vector.extract_strided_slice %dot_general3A_10 {offsets = [256, 2688], sizes = [128, 128], strides = [1, 1]} : vector<512x4096xf32> to vector<128x128xf32>
    %sub3A_1111 = vector.broadcast %slice3A_850 : vector<128x1xf32> to vector<128x128xf32>
    %sub3A_1112 = arith.subf %sub3A_1111, %slice3A_1110 : vector<128x128xf32>
    %slice3A_1113 = vector.extract_strided_slice %get3A_14 {offsets = [2688], sizes = [128], strides = [1]} : vector<4096xf32> to vector<128xf32>
    %broadcast_in_dim3A_1114 = vector.shape_cast %slice3A_1113 : vector<128xf32> to vector<1x128xf32>
    %add3A_1115 = vector.broadcast %broadcast_in_dim3A_1114 : vector<1x128xf32> to vector<128x128xf32>
    %add3A_1116 = arith.addf %sub3A_1112, %add3A_1115 : vector<128x128xf32>
    %lt3A_1117 = arith.cmpf olt, %add3A_1116, %select_n3A_1106 : vector<128x128xf32>
    %select_n3A_1118 = arith.select %lt3A_1117, %add3A_1116, %select_n3A_1106 : vector<128x128xi1>, vector<128x128xf32>
    %jit3A_1119 = arith.constant 2.688000e+03 : f32
    %broadcast_in_dim3A_1120 = vector.broadcast %jit3A_1119 : f32 to vector<128x128xf32>
    %select_n3A_1121 = arith.select %lt3A_1117, %broadcast_in_dim3A_1120, %select_n3A_1109 : vector<128x128xi1>, vector<128x128xf32>
    %reduce_min3A_1122 = arith.constant dense<0x7F800000> : vector<128xf32>
    %reduce_min3A_1123 = vector.multi_reduction <minimumf>, %select_n3A_1118, %reduce_min3A_1122 [1] : vector<128x128xf32> to vector<128xf32>
    %broadcast_in_dim3A_1124 = vector.shape_cast %reduce_min3A_1123 : vector<128xf32> to vector<128x1xf32>
    %eq3A_1125 = vector.broadcast %broadcast_in_dim3A_1124 : vector<128x1xf32> to vector<128x128xf32>
    %eq3A_1126 = arith.cmpf oeq, %select_n3A_1118, %eq3A_1125 : vector<128x128xf32>
    %add3A_1127 = arith.addf %select_n3A_1121, %convert_element_type3A_15 : vector<128x128xf32>
    %jit3A_1128 = arith.constant 4.096000e+03 : f32
    %broadcast_in_dim3A_1129 = vector.broadcast %jit3A_1128 : f32 to vector<128x128xf32>
    %select_n3A_1130 = arith.select %eq3A_1126, %add3A_1127, %broadcast_in_dim3A_1129 : vector<128x128xi1>, vector<128x128xf32>
    %reduce_min3A_1131 = arith.constant dense<0x7F800000> : vector<128xf32>
    %reduce_min3A_1132 = vector.multi_reduction <minimumf>, %select_n3A_1130, %reduce_min3A_1131 [1] : vector<128x128xf32> to vector<128xf32>
    %convert_element_type3A_1133 = arith.truncf %reduce_min3A_1123 : vector<128xf32> to vector<128xbf16>
    %convert_element_type3A_1134 = arith.extf %convert_element_type3A_1133 : vector<128xbf16> to vector<128xf32>
    %lt3A_1135 = arith.cmpf olt, %reduce_min3A_1123, %convert_element_type3A_992 : vector<128xf32>
    %select_n3A_1136 = arith.select %lt3A_1135, %convert_element_type3A_1134, %convert_element_type3A_992 : vector<128xi1>, vector<128xf32>
    %select_n3A_1137 = arith.select %lt3A_1135, %reduce_min3A_1132, %reduce_min3A_990 : vector<128xi1>, vector<128xf32>
    %slice3A_1138 = vector.extract_strided_slice %dot_general3A_10 {offsets = [256, 2816], sizes = [128, 128], strides = [1, 1]} : vector<512x4096xf32> to vector<128x128xf32>
    %sub3A_1139 = vector.broadcast %slice3A_850 : vector<128x1xf32> to vector<128x128xf32>
    %sub3A_1140 = arith.subf %sub3A_1139, %slice3A_1138 : vector<128x128xf32>
    %slice3A_1141 = vector.extract_strided_slice %get3A_14 {offsets = [2816], sizes = [128], strides = [1]} : vector<4096xf32> to vector<128xf32>
    %broadcast_in_dim3A_1142 = vector.shape_cast %slice3A_1141 : vector<128xf32> to vector<1x128xf32>
    %add3A_1143 = vector.broadcast %broadcast_in_dim3A_1142 : vector<1x128xf32> to vector<128x128xf32>
    %add3A_1144 = arith.addf %sub3A_1140, %add3A_1143 : vector<128x128xf32>
    %broadcast_in_dim3A_1145 = arith.constant 2.816000e+03 : f32
    %broadcast_in_dim3A_1146 = vector.broadcast %broadcast_in_dim3A_1145 : f32 to vector<128x128xf32>
    %slice3A_1147 = vector.extract_strided_slice %dot_general3A_10 {offsets = [256, 2944], sizes = [128, 128], strides = [1, 1]} : vector<512x4096xf32> to vector<128x128xf32>
    %sub3A_1148 = vector.broadcast %slice3A_850 : vector<128x1xf32> to vector<128x128xf32>
    %sub3A_1149 = arith.subf %sub3A_1148, %slice3A_1147 : vector<128x128xf32>
    %slice3A_1150 = vector.extract_strided_slice %get3A_14 {offsets = [2944], sizes = [128], strides = [1]} : vector<4096xf32> to vector<128xf32>
    %broadcast_in_dim3A_1151 = vector.shape_cast %slice3A_1150 : vector<128xf32> to vector<1x128xf32>
    %add3A_1152 = vector.broadcast %broadcast_in_dim3A_1151 : vector<1x128xf32> to vector<128x128xf32>
    %add3A_1153 = arith.addf %sub3A_1149, %add3A_1152 : vector<128x128xf32>
    %lt3A_1154 = arith.cmpf olt, %add3A_1153, %add3A_1144 : vector<128x128xf32>
    %select_n3A_1155 = arith.select %lt3A_1154, %add3A_1153, %add3A_1144 : vector<128x128xi1>, vector<128x128xf32>
    %jit3A_1156 = arith.constant 2.944000e+03 : f32
    %broadcast_in_dim3A_1157 = vector.broadcast %jit3A_1156 : f32 to vector<128x128xf32>
    %select_n3A_1158 = arith.select %lt3A_1154, %broadcast_in_dim3A_1157, %broadcast_in_dim3A_1146 : vector<128x128xi1>, vector<128x128xf32>
    %slice3A_1159 = vector.extract_strided_slice %dot_general3A_10 {offsets = [256, 3072], sizes = [128, 128], strides = [1, 1]} : vector<512x4096xf32> to vector<128x128xf32>
    %sub3A_1160 = vector.broadcast %slice3A_850 : vector<128x1xf32> to vector<128x128xf32>
    %sub3A_1161 = arith.subf %sub3A_1160, %slice3A_1159 : vector<128x128xf32>
    %slice3A_1162 = vector.extract_strided_slice %get3A_14 {offsets = [3072], sizes = [128], strides = [1]} : vector<4096xf32> to vector<128xf32>
    %broadcast_in_dim3A_1163 = vector.shape_cast %slice3A_1162 : vector<128xf32> to vector<1x128xf32>
    %add3A_1164 = vector.broadcast %broadcast_in_dim3A_1163 : vector<1x128xf32> to vector<128x128xf32>
    %add3A_1165 = arith.addf %sub3A_1161, %add3A_1164 : vector<128x128xf32>
    %lt3A_1166 = arith.cmpf olt, %add3A_1165, %select_n3A_1155 : vector<128x128xf32>
    %select_n3A_1167 = arith.select %lt3A_1166, %add3A_1165, %select_n3A_1155 : vector<128x128xi1>, vector<128x128xf32>
    %jit3A_1168 = arith.constant 3.072000e+03 : f32
    %broadcast_in_dim3A_1169 = vector.broadcast %jit3A_1168 : f32 to vector<128x128xf32>
    %select_n3A_1170 = arith.select %lt3A_1166, %broadcast_in_dim3A_1169, %select_n3A_1158 : vector<128x128xi1>, vector<128x128xf32>
    %slice3A_1171 = vector.extract_strided_slice %dot_general3A_10 {offsets = [256, 3200], sizes = [128, 128], strides = [1, 1]} : vector<512x4096xf32> to vector<128x128xf32>
    %sub3A_1172 = vector.broadcast %slice3A_850 : vector<128x1xf32> to vector<128x128xf32>
    %sub3A_1173 = arith.subf %sub3A_1172, %slice3A_1171 : vector<128x128xf32>
    %slice3A_1174 = vector.extract_strided_slice %get3A_14 {offsets = [3200], sizes = [128], strides = [1]} : vector<4096xf32> to vector<128xf32>
    %broadcast_in_dim3A_1175 = vector.shape_cast %slice3A_1174 : vector<128xf32> to vector<1x128xf32>
    %add3A_1176 = vector.broadcast %broadcast_in_dim3A_1175 : vector<1x128xf32> to vector<128x128xf32>
    %add3A_1177 = arith.addf %sub3A_1173, %add3A_1176 : vector<128x128xf32>
    %lt3A_1178 = arith.cmpf olt, %add3A_1177, %select_n3A_1167 : vector<128x128xf32>
    %select_n3A_1179 = arith.select %lt3A_1178, %add3A_1177, %select_n3A_1167 : vector<128x128xi1>, vector<128x128xf32>
    %jit3A_1180 = arith.constant 3.200000e+03 : f32
    %broadcast_in_dim3A_1181 = vector.broadcast %jit3A_1180 : f32 to vector<128x128xf32>
    %select_n3A_1182 = arith.select %lt3A_1178, %broadcast_in_dim3A_1181, %select_n3A_1170 : vector<128x128xi1>, vector<128x128xf32>
    %slice3A_1183 = vector.extract_strided_slice %dot_general3A_10 {offsets = [256, 3328], sizes = [128, 128], strides = [1, 1]} : vector<512x4096xf32> to vector<128x128xf32>
    %sub3A_1184 = vector.broadcast %slice3A_850 : vector<128x1xf32> to vector<128x128xf32>
    %sub3A_1185 = arith.subf %sub3A_1184, %slice3A_1183 : vector<128x128xf32>
    %slice3A_1186 = vector.extract_strided_slice %get3A_14 {offsets = [3328], sizes = [128], strides = [1]} : vector<4096xf32> to vector<128xf32>
    %broadcast_in_dim3A_1187 = vector.shape_cast %slice3A_1186 : vector<128xf32> to vector<1x128xf32>
    %add3A_1188 = vector.broadcast %broadcast_in_dim3A_1187 : vector<1x128xf32> to vector<128x128xf32>
    %add3A_1189 = arith.addf %sub3A_1185, %add3A_1188 : vector<128x128xf32>
    %lt3A_1190 = arith.cmpf olt, %add3A_1189, %select_n3A_1179 : vector<128x128xf32>
    %select_n3A_1191 = arith.select %lt3A_1190, %add3A_1189, %select_n3A_1179 : vector<128x128xi1>, vector<128x128xf32>
    %jit3A_1192 = arith.constant 3.328000e+03 : f32
    %broadcast_in_dim3A_1193 = vector.broadcast %jit3A_1192 : f32 to vector<128x128xf32>
    %select_n3A_1194 = arith.select %lt3A_1190, %broadcast_in_dim3A_1193, %select_n3A_1182 : vector<128x128xi1>, vector<128x128xf32>
    %slice3A_1195 = vector.extract_strided_slice %dot_general3A_10 {offsets = [256, 3456], sizes = [128, 128], strides = [1, 1]} : vector<512x4096xf32> to vector<128x128xf32>
    %sub3A_1196 = vector.broadcast %slice3A_850 : vector<128x1xf32> to vector<128x128xf32>
    %sub3A_1197 = arith.subf %sub3A_1196, %slice3A_1195 : vector<128x128xf32>
    %slice3A_1198 = vector.extract_strided_slice %get3A_14 {offsets = [3456], sizes = [128], strides = [1]} : vector<4096xf32> to vector<128xf32>
    %broadcast_in_dim3A_1199 = vector.shape_cast %slice3A_1198 : vector<128xf32> to vector<1x128xf32>
    %add3A_1200 = vector.broadcast %broadcast_in_dim3A_1199 : vector<1x128xf32> to vector<128x128xf32>
    %add3A_1201 = arith.addf %sub3A_1197, %add3A_1200 : vector<128x128xf32>
    %lt3A_1202 = arith.cmpf olt, %add3A_1201, %select_n3A_1191 : vector<128x128xf32>
    %select_n3A_1203 = arith.select %lt3A_1202, %add3A_1201, %select_n3A_1191 : vector<128x128xi1>, vector<128x128xf32>
    %jit3A_1204 = arith.constant 3.456000e+03 : f32
    %broadcast_in_dim3A_1205 = vector.broadcast %jit3A_1204 : f32 to vector<128x128xf32>
    %select_n3A_1206 = arith.select %lt3A_1202, %broadcast_in_dim3A_1205, %select_n3A_1194 : vector<128x128xi1>, vector<128x128xf32>
    %slice3A_1207 = vector.extract_strided_slice %dot_general3A_10 {offsets = [256, 3584], sizes = [128, 128], strides = [1, 1]} : vector<512x4096xf32> to vector<128x128xf32>
    %sub3A_1208 = vector.broadcast %slice3A_850 : vector<128x1xf32> to vector<128x128xf32>
    %sub3A_1209 = arith.subf %sub3A_1208, %slice3A_1207 : vector<128x128xf32>
    %slice3A_1210 = vector.extract_strided_slice %get3A_14 {offsets = [3584], sizes = [128], strides = [1]} : vector<4096xf32> to vector<128xf32>
    %broadcast_in_dim3A_1211 = vector.shape_cast %slice3A_1210 : vector<128xf32> to vector<1x128xf32>
    %add3A_1212 = vector.broadcast %broadcast_in_dim3A_1211 : vector<1x128xf32> to vector<128x128xf32>
    %add3A_1213 = arith.addf %sub3A_1209, %add3A_1212 : vector<128x128xf32>
    %lt3A_1214 = arith.cmpf olt, %add3A_1213, %select_n3A_1203 : vector<128x128xf32>
    %select_n3A_1215 = arith.select %lt3A_1214, %add3A_1213, %select_n3A_1203 : vector<128x128xi1>, vector<128x128xf32>
    %jit3A_1216 = arith.constant 3.584000e+03 : f32
    %broadcast_in_dim3A_1217 = vector.broadcast %jit3A_1216 : f32 to vector<128x128xf32>
    %select_n3A_1218 = arith.select %lt3A_1214, %broadcast_in_dim3A_1217, %select_n3A_1206 : vector<128x128xi1>, vector<128x128xf32>
    %slice3A_1219 = vector.extract_strided_slice %dot_general3A_10 {offsets = [256, 3712], sizes = [128, 128], strides = [1, 1]} : vector<512x4096xf32> to vector<128x128xf32>
    %sub3A_1220 = vector.broadcast %slice3A_850 : vector<128x1xf32> to vector<128x128xf32>
    %sub3A_1221 = arith.subf %sub3A_1220, %slice3A_1219 : vector<128x128xf32>
    %slice3A_1222 = vector.extract_strided_slice %get3A_14 {offsets = [3712], sizes = [128], strides = [1]} : vector<4096xf32> to vector<128xf32>
    %broadcast_in_dim3A_1223 = vector.shape_cast %slice3A_1222 : vector<128xf32> to vector<1x128xf32>
    %add3A_1224 = vector.broadcast %broadcast_in_dim3A_1223 : vector<1x128xf32> to vector<128x128xf32>
    %add3A_1225 = arith.addf %sub3A_1221, %add3A_1224 : vector<128x128xf32>
    %lt3A_1226 = arith.cmpf olt, %add3A_1225, %select_n3A_1215 : vector<128x128xf32>
    %select_n3A_1227 = arith.select %lt3A_1226, %add3A_1225, %select_n3A_1215 : vector<128x128xi1>, vector<128x128xf32>
    %jit3A_1228 = arith.constant 3.712000e+03 : f32
    %broadcast_in_dim3A_1229 = vector.broadcast %jit3A_1228 : f32 to vector<128x128xf32>
    %select_n3A_1230 = arith.select %lt3A_1226, %broadcast_in_dim3A_1229, %select_n3A_1218 : vector<128x128xi1>, vector<128x128xf32>
    %slice3A_1231 = vector.extract_strided_slice %dot_general3A_10 {offsets = [256, 3840], sizes = [128, 128], strides = [1, 1]} : vector<512x4096xf32> to vector<128x128xf32>
    %sub3A_1232 = vector.broadcast %slice3A_850 : vector<128x1xf32> to vector<128x128xf32>
    %sub3A_1233 = arith.subf %sub3A_1232, %slice3A_1231 : vector<128x128xf32>
    %slice3A_1234 = vector.extract_strided_slice %get3A_14 {offsets = [3840], sizes = [128], strides = [1]} : vector<4096xf32> to vector<128xf32>
    %broadcast_in_dim3A_1235 = vector.shape_cast %slice3A_1234 : vector<128xf32> to vector<1x128xf32>
    %add3A_1236 = vector.broadcast %broadcast_in_dim3A_1235 : vector<1x128xf32> to vector<128x128xf32>
    %add3A_1237 = arith.addf %sub3A_1233, %add3A_1236 : vector<128x128xf32>
    %lt3A_1238 = arith.cmpf olt, %add3A_1237, %select_n3A_1227 : vector<128x128xf32>
    %select_n3A_1239 = arith.select %lt3A_1238, %add3A_1237, %select_n3A_1227 : vector<128x128xi1>, vector<128x128xf32>
    %jit3A_1240 = arith.constant 3.840000e+03 : f32
    %broadcast_in_dim3A_1241 = vector.broadcast %jit3A_1240 : f32 to vector<128x128xf32>
    %select_n3A_1242 = arith.select %lt3A_1238, %broadcast_in_dim3A_1241, %select_n3A_1230 : vector<128x128xi1>, vector<128x128xf32>
    %slice3A_1243 = vector.extract_strided_slice %dot_general3A_10 {offsets = [256, 3968], sizes = [128, 128], strides = [1, 1]} : vector<512x4096xf32> to vector<128x128xf32>
    %sub3A_1244 = vector.broadcast %slice3A_850 : vector<128x1xf32> to vector<128x128xf32>
    %sub3A_1245 = arith.subf %sub3A_1244, %slice3A_1243 : vector<128x128xf32>
    %slice3A_1246 = vector.extract_strided_slice %get3A_14 {offsets = [3968], sizes = [128], strides = [1]} : vector<4096xf32> to vector<128xf32>
    %broadcast_in_dim3A_1247 = vector.shape_cast %slice3A_1246 : vector<128xf32> to vector<1x128xf32>
    %add3A_1248 = vector.broadcast %broadcast_in_dim3A_1247 : vector<1x128xf32> to vector<128x128xf32>
    %add3A_1249 = arith.addf %sub3A_1245, %add3A_1248 : vector<128x128xf32>
    %lt3A_1250 = arith.cmpf olt, %add3A_1249, %select_n3A_1239 : vector<128x128xf32>
    %select_n3A_1251 = arith.select %lt3A_1250, %add3A_1249, %select_n3A_1239 : vector<128x128xi1>, vector<128x128xf32>
    %jit3A_1252 = arith.constant 3.968000e+03 : f32
    %broadcast_in_dim3A_1253 = vector.broadcast %jit3A_1252 : f32 to vector<128x128xf32>
    %select_n3A_1254 = arith.select %lt3A_1250, %broadcast_in_dim3A_1253, %select_n3A_1242 : vector<128x128xi1>, vector<128x128xf32>
    %reduce_min3A_1255 = arith.constant dense<0x7F800000> : vector<128xf32>
    %reduce_min3A_1256 = vector.multi_reduction <minimumf>, %select_n3A_1251, %reduce_min3A_1255 [1] : vector<128x128xf32> to vector<128xf32>
    %broadcast_in_dim3A_1257 = vector.shape_cast %reduce_min3A_1256 : vector<128xf32> to vector<128x1xf32>
    %eq3A_1258 = vector.broadcast %broadcast_in_dim3A_1257 : vector<128x1xf32> to vector<128x128xf32>
    %eq3A_1259 = arith.cmpf oeq, %select_n3A_1251, %eq3A_1258 : vector<128x128xf32>
    %add3A_1260 = arith.addf %select_n3A_1254, %convert_element_type3A_15 : vector<128x128xf32>
    %jit3A_1261 = arith.constant 4.096000e+03 : f32
    %broadcast_in_dim3A_1262 = vector.broadcast %jit3A_1261 : f32 to vector<128x128xf32>
    %select_n3A_1263 = arith.select %eq3A_1259, %add3A_1260, %broadcast_in_dim3A_1262 : vector<128x128xi1>, vector<128x128xf32>
    %reduce_min3A_1264 = arith.constant dense<0x7F800000> : vector<128xf32>
    %reduce_min3A_1265 = vector.multi_reduction <minimumf>, %select_n3A_1263, %reduce_min3A_1264 [1] : vector<128x128xf32> to vector<128xf32>
    %lt3A_1266 = arith.cmpf olt, %reduce_min3A_1256, %select_n3A_1136 : vector<128xf32>
    %select_n3A_1267 = arith.select %lt3A_1266, %reduce_min3A_1265, %select_n3A_1137 : vector<128xi1>, vector<128xf32>
    %convert_element_type3A_1268 = arith.fptosi %select_n3A_1267 : vector<128xf32> to vector<128xi32>
    %swap3A_1269 = arith.constant 256 : index
    %swap3A_1270 = vector.load %arg5[%swap3A_1269] : memref<512xi32, #tpu.memory_space<vmem>>, vector<128xi32>
    tpu.vector_store %arg5[%swap3A_1269], %convert_element_type3A_1268 {strides = array<i32>} : memref<512xi32, #tpu.memory_space<vmem>>, vector<128xi32>,
    %slice3A_1271 = vector.extract_strided_slice %broadcast_in_dim3A {offsets = [384, 0], sizes = [128, 1], strides = [1, 1]} : vector<512x1xf32> to vector<128x1xf32>
    %slice3A_1272 = vector.extract_strided_slice %dot_general3A_10 {offsets = [384, 0], sizes = [128, 128], strides = [1, 1]} : vector<512x4096xf32> to vector<128x128xf32>
    %sub3A_1273 = vector.broadcast %slice3A_1271 : vector<128x1xf32> to vector<128x128xf32>
    %sub3A_1274 = arith.subf %sub3A_1273, %slice3A_1272 : vector<128x128xf32>
    %slice3A_1275 = vector.extract_strided_slice %get3A_14 {offsets = [0], sizes = [128], strides = [1]} : vector<4096xf32> to vector<128xf32>
    %broadcast_in_dim3A_1276 = vector.shape_cast %slice3A_1275 : vector<128xf32> to vector<1x128xf32>
    %add3A_1277 = vector.broadcast %broadcast_in_dim3A_1276 : vector<1x128xf32> to vector<128x128xf32>
    %add3A_1278 = arith.addf %sub3A_1274, %add3A_1277 : vector<128x128xf32>
    %broadcast_in_dim3A_1279 = arith.constant 0.000000e+00 : f32
    %broadcast_in_dim3A_1280 = vector.broadcast %broadcast_in_dim3A_1279 : f32 to vector<128x128xf32>
    %slice3A_1281 = vector.extract_strided_slice %dot_general3A_10 {offsets = [384, 128], sizes = [128, 128], strides = [1, 1]} : vector<512x4096xf32> to vector<128x128xf32>
    %sub3A_1282 = vector.broadcast %slice3A_1271 : vector<128x1xf32> to vector<128x128xf32>
    %sub3A_1283 = arith.subf %sub3A_1282, %slice3A_1281 : vector<128x128xf32>
    %slice3A_1284 = vector.extract_strided_slice %get3A_14 {offsets = [128], sizes = [128], strides = [1]} : vector<4096xf32> to vector<128xf32>
    %broadcast_in_dim3A_1285 = vector.shape_cast %slice3A_1284 : vector<128xf32> to vector<1x128xf32>
    %add3A_1286 = vector.broadcast %broadcast_in_dim3A_1285 : vector<1x128xf32> to vector<128x128xf32>
    %add3A_1287 = arith.addf %sub3A_1283, %add3A_1286 : vector<128x128xf32>
    %lt3A_1288 = arith.cmpf olt, %add3A_1287, %add3A_1278 : vector<128x128xf32>
    %select_n3A_1289 = arith.select %lt3A_1288, %add3A_1287, %add3A_1278 : vector<128x128xi1>, vector<128x128xf32>
    %jit3A_1290 = arith.constant 1.280000e+02 : f32
    %broadcast_in_dim3A_1291 = vector.broadcast %jit3A_1290 : f32 to vector<128x128xf32>
    %select_n3A_1292 = arith.select %lt3A_1288, %broadcast_in_dim3A_1291, %broadcast_in_dim3A_1280 : vector<128x128xi1>, vector<128x128xf32>
    %slice3A_1293 = vector.extract_strided_slice %dot_general3A_10 {offsets = [384, 256], sizes = [128, 128], strides = [1, 1]} : vector<512x4096xf32> to vector<128x128xf32>
    %sub3A_1294 = vector.broadcast %slice3A_1271 : vector<128x1xf32> to vector<128x128xf32>
    %sub3A_1295 = arith.subf %sub3A_1294, %slice3A_1293 : vector<128x128xf32>
    %slice3A_1296 = vector.extract_strided_slice %get3A_14 {offsets = [256], sizes = [128], strides = [1]} : vector<4096xf32> to vector<128xf32>
    %broadcast_in_dim3A_1297 = vector.shape_cast %slice3A_1296 : vector<128xf32> to vector<1x128xf32>
    %add3A_1298 = vector.broadcast %broadcast_in_dim3A_1297 : vector<1x128xf32> to vector<128x128xf32>
    %add3A_1299 = arith.addf %sub3A_1295, %add3A_1298 : vector<128x128xf32>
    %lt3A_1300 = arith.cmpf olt, %add3A_1299, %select_n3A_1289 : vector<128x128xf32>
    %select_n3A_1301 = arith.select %lt3A_1300, %add3A_1299, %select_n3A_1289 : vector<128x128xi1>, vector<128x128xf32>
    %jit3A_1302 = arith.constant 2.560000e+02 : f32
    %broadcast_in_dim3A_1303 = vector.broadcast %jit3A_1302 : f32 to vector<128x128xf32>
    %select_n3A_1304 = arith.select %lt3A_1300, %broadcast_in_dim3A_1303, %select_n3A_1292 : vector<128x128xi1>, vector<128x128xf32>
    %slice3A_1305 = vector.extract_strided_slice %dot_general3A_10 {offsets = [384, 384], sizes = [128, 128], strides = [1, 1]} : vector<512x4096xf32> to vector<128x128xf32>
    %sub3A_1306 = vector.broadcast %slice3A_1271 : vector<128x1xf32> to vector<128x128xf32>
    %sub3A_1307 = arith.subf %sub3A_1306, %slice3A_1305 : vector<128x128xf32>
    %slice3A_1308 = vector.extract_strided_slice %get3A_14 {offsets = [384], sizes = [128], strides = [1]} : vector<4096xf32> to vector<128xf32>
    %broadcast_in_dim3A_1309 = vector.shape_cast %slice3A_1308 : vector<128xf32> to vector<1x128xf32>
    %add3A_1310 = vector.broadcast %broadcast_in_dim3A_1309 : vector<1x128xf32> to vector<128x128xf32>
    %add3A_1311 = arith.addf %sub3A_1307, %add3A_1310 : vector<128x128xf32>
    %lt3A_1312 = arith.cmpf olt, %add3A_1311, %select_n3A_1301 : vector<128x128xf32>
    %select_n3A_1313 = arith.select %lt3A_1312, %add3A_1311, %select_n3A_1301 : vector<128x128xi1>, vector<128x128xf32>
    %jit3A_1314 = arith.constant 3.840000e+02 : f32
    %broadcast_in_dim3A_1315 = vector.broadcast %jit3A_1314 : f32 to vector<128x128xf32>
    %select_n3A_1316 = arith.select %lt3A_1312, %broadcast_in_dim3A_1315, %select_n3A_1304 : vector<128x128xi1>, vector<128x128xf32>
    %slice3A_1317 = vector.extract_strided_slice %dot_general3A_10 {offsets = [384, 512], sizes = [128, 128], strides = [1, 1]} : vector<512x4096xf32> to vector<128x128xf32>
    %sub3A_1318 = vector.broadcast %slice3A_1271 : vector<128x1xf32> to vector<128x128xf32>
    %sub3A_1319 = arith.subf %sub3A_1318, %slice3A_1317 : vector<128x128xf32>
    %slice3A_1320 = vector.extract_strided_slice %get3A_14 {offsets = [512], sizes = [128], strides = [1]} : vector<4096xf32> to vector<128xf32>
    %broadcast_in_dim3A_1321 = vector.shape_cast %slice3A_1320 : vector<128xf32> to vector<1x128xf32>
    %add3A_1322 = vector.broadcast %broadcast_in_dim3A_1321 : vector<1x128xf32> to vector<128x128xf32>
    %add3A_1323 = arith.addf %sub3A_1319, %add3A_1322 : vector<128x128xf32>
    %lt3A_1324 = arith.cmpf olt, %add3A_1323, %select_n3A_1313 : vector<128x128xf32>
    %select_n3A_1325 = arith.select %lt3A_1324, %add3A_1323, %select_n3A_1313 : vector<128x128xi1>, vector<128x128xf32>
    %jit3A_1326 = arith.constant 5.120000e+02 : f32
    %broadcast_in_dim3A_1327 = vector.broadcast %jit3A_1326 : f32 to vector<128x128xf32>
    %select_n3A_1328 = arith.select %lt3A_1324, %broadcast_in_dim3A_1327, %select_n3A_1316 : vector<128x128xi1>, vector<128x128xf32>
    %slice3A_1329 = vector.extract_strided_slice %dot_general3A_10 {offsets = [384, 640], sizes = [128, 128], strides = [1, 1]} : vector<512x4096xf32> to vector<128x128xf32>
    %sub3A_1330 = vector.broadcast %slice3A_1271 : vector<128x1xf32> to vector<128x128xf32>
    %sub3A_1331 = arith.subf %sub3A_1330, %slice3A_1329 : vector<128x128xf32>
    %slice3A_1332 = vector.extract_strided_slice %get3A_14 {offsets = [640], sizes = [128], strides = [1]} : vector<4096xf32> to vector<128xf32>
    %broadcast_in_dim3A_1333 = vector.shape_cast %slice3A_1332 : vector<128xf32> to vector<1x128xf32>
    %add3A_1334 = vector.broadcast %broadcast_in_dim3A_1333 : vector<1x128xf32> to vector<128x128xf32>
    %add3A_1335 = arith.addf %sub3A_1331, %add3A_1334 : vector<128x128xf32>
    %lt3A_1336 = arith.cmpf olt, %add3A_1335, %select_n3A_1325 : vector<128x128xf32>
    %select_n3A_1337 = arith.select %lt3A_1336, %add3A_1335, %select_n3A_1325 : vector<128x128xi1>, vector<128x128xf32>
    %jit3A_1338 = arith.constant 6.400000e+02 : f32
    %broadcast_in_dim3A_1339 = vector.broadcast %jit3A_1338 : f32 to vector<128x128xf32>
    %select_n3A_1340 = arith.select %lt3A_1336, %broadcast_in_dim3A_1339, %select_n3A_1328 : vector<128x128xi1>, vector<128x128xf32>
    %slice3A_1341 = vector.extract_strided_slice %dot_general3A_10 {offsets = [384, 768], sizes = [128, 128], strides = [1, 1]} : vector<512x4096xf32> to vector<128x128xf32>
    %sub3A_1342 = vector.broadcast %slice3A_1271 : vector<128x1xf32> to vector<128x128xf32>
    %sub3A_1343 = arith.subf %sub3A_1342, %slice3A_1341 : vector<128x128xf32>
    %slice3A_1344 = vector.extract_strided_slice %get3A_14 {offsets = [768], sizes = [128], strides = [1]} : vector<4096xf32> to vector<128xf32>
    %broadcast_in_dim3A_1345 = vector.shape_cast %slice3A_1344 : vector<128xf32> to vector<1x128xf32>
    %add3A_1346 = vector.broadcast %broadcast_in_dim3A_1345 : vector<1x128xf32> to vector<128x128xf32>
    %add3A_1347 = arith.addf %sub3A_1343, %add3A_1346 : vector<128x128xf32>
    %lt3A_1348 = arith.cmpf olt, %add3A_1347, %select_n3A_1337 : vector<128x128xf32>
    %select_n3A_1349 = arith.select %lt3A_1348, %add3A_1347, %select_n3A_1337 : vector<128x128xi1>, vector<128x128xf32>
    %jit3A_1350 = arith.constant 7.680000e+02 : f32
    %broadcast_in_dim3A_1351 = vector.broadcast %jit3A_1350 : f32 to vector<128x128xf32>
    %select_n3A_1352 = arith.select %lt3A_1348, %broadcast_in_dim3A_1351, %select_n3A_1340 : vector<128x128xi1>, vector<128x128xf32>
    %slice3A_1353 = vector.extract_strided_slice %dot_general3A_10 {offsets = [384, 896], sizes = [128, 128], strides = [1, 1]} : vector<512x4096xf32> to vector<128x128xf32>
    %sub3A_1354 = vector.broadcast %slice3A_1271 : vector<128x1xf32> to vector<128x128xf32>
    %sub3A_1355 = arith.subf %sub3A_1354, %slice3A_1353 : vector<128x128xf32>
    %slice3A_1356 = vector.extract_strided_slice %get3A_14 {offsets = [896], sizes = [128], strides = [1]} : vector<4096xf32> to vector<128xf32>
    %broadcast_in_dim3A_1357 = vector.shape_cast %slice3A_1356 : vector<128xf32> to vector<1x128xf32>
    %add3A_1358 = vector.broadcast %broadcast_in_dim3A_1357 : vector<1x128xf32> to vector<128x128xf32>
    %add3A_1359 = arith.addf %sub3A_1355, %add3A_1358 : vector<128x128xf32>
    %lt3A_1360 = arith.cmpf olt, %add3A_1359, %select_n3A_1349 : vector<128x128xf32>
    %select_n3A_1361 = arith.select %lt3A_1360, %add3A_1359, %select_n3A_1349 : vector<128x128xi1>, vector<128x128xf32>
    %jit3A_1362 = arith.constant 8.960000e+02 : f32
    %broadcast_in_dim3A_1363 = vector.broadcast %jit3A_1362 : f32 to vector<128x128xf32>
    %select_n3A_1364 = arith.select %lt3A_1360, %broadcast_in_dim3A_1363, %select_n3A_1352 : vector<128x128xi1>, vector<128x128xf32>
    %slice3A_1365 = vector.extract_strided_slice %dot_general3A_10 {offsets = [384, 1024], sizes = [128, 128], strides = [1, 1]} : vector<512x4096xf32> to vector<128x128xf32>
    %sub3A_1366 = vector.broadcast %slice3A_1271 : vector<128x1xf32> to vector<128x128xf32>
    %sub3A_1367 = arith.subf %sub3A_1366, %slice3A_1365 : vector<128x128xf32>
    %slice3A_1368 = vector.extract_strided_slice %get3A_14 {offsets = [1024], sizes = [128], strides = [1]} : vector<4096xf32> to vector<128xf32>
    %broadcast_in_dim3A_1369 = vector.shape_cast %slice3A_1368 : vector<128xf32> to vector<1x128xf32>
    %add3A_1370 = vector.broadcast %broadcast_in_dim3A_1369 : vector<1x128xf32> to vector<128x128xf32>
    %add3A_1371 = arith.addf %sub3A_1367, %add3A_1370 : vector<128x128xf32>
    %lt3A_1372 = arith.cmpf olt, %add3A_1371, %select_n3A_1361 : vector<128x128xf32>
    %select_n3A_1373 = arith.select %lt3A_1372, %add3A_1371, %select_n3A_1361 : vector<128x128xi1>, vector<128x128xf32>
    %jit3A_1374 = arith.constant 1.024000e+03 : f32
    %broadcast_in_dim3A_1375 = vector.broadcast %jit3A_1374 : f32 to vector<128x128xf32>
    %select_n3A_1376 = arith.select %lt3A_1372, %broadcast_in_dim3A_1375, %select_n3A_1364 : vector<128x128xi1>, vector<128x128xf32>
    %slice3A_1377 = vector.extract_strided_slice %dot_general3A_10 {offsets = [384, 1152], sizes = [128, 128], strides = [1, 1]} : vector<512x4096xf32> to vector<128x128xf32>
    %sub3A_1378 = vector.broadcast %slice3A_1271 : vector<128x1xf32> to vector<128x128xf32>
    %sub3A_1379 = arith.subf %sub3A_1378, %slice3A_1377 : vector<128x128xf32>
    %slice3A_1380 = vector.extract_strided_slice %get3A_14 {offsets = [1152], sizes = [128], strides = [1]} : vector<4096xf32> to vector<128xf32>
    %broadcast_in_dim3A_1381 = vector.shape_cast %slice3A_1380 : vector<128xf32> to vector<1x128xf32>
    %add3A_1382 = vector.broadcast %broadcast_in_dim3A_1381 : vector<1x128xf32> to vector<128x128xf32>
    %add3A_1383 = arith.addf %sub3A_1379, %add3A_1382 : vector<128x128xf32>
    %lt3A_1384 = arith.cmpf olt, %add3A_1383, %select_n3A_1373 : vector<128x128xf32>
    %select_n3A_1385 = arith.select %lt3A_1384, %add3A_1383, %select_n3A_1373 : vector<128x128xi1>, vector<128x128xf32>
    %jit3A_1386 = arith.constant 1.152000e+03 : f32
    %broadcast_in_dim3A_1387 = vector.broadcast %jit3A_1386 : f32 to vector<128x128xf32>
    %select_n3A_1388 = arith.select %lt3A_1384, %broadcast_in_dim3A_1387, %select_n3A_1376 : vector<128x128xi1>, vector<128x128xf32>
    %slice3A_1389 = vector.extract_strided_slice %dot_general3A_10 {offsets = [384, 1280], sizes = [128, 128], strides = [1, 1]} : vector<512x4096xf32> to vector<128x128xf32>
    %sub3A_1390 = vector.broadcast %slice3A_1271 : vector<128x1xf32> to vector<128x128xf32>
    %sub3A_1391 = arith.subf %sub3A_1390, %slice3A_1389 : vector<128x128xf32>
    %slice3A_1392 = vector.extract_strided_slice %get3A_14 {offsets = [1280], sizes = [128], strides = [1]} : vector<4096xf32> to vector<128xf32>
    %broadcast_in_dim3A_1393 = vector.shape_cast %slice3A_1392 : vector<128xf32> to vector<1x128xf32>
    %add3A_1394 = vector.broadcast %broadcast_in_dim3A_1393 : vector<1x128xf32> to vector<128x128xf32>
    %add3A_1395 = arith.addf %sub3A_1391, %add3A_1394 : vector<128x128xf32>
    %lt3A_1396 = arith.cmpf olt, %add3A_1395, %select_n3A_1385 : vector<128x128xf32>
    %select_n3A_1397 = arith.select %lt3A_1396, %add3A_1395, %select_n3A_1385 : vector<128x128xi1>, vector<128x128xf32>
    %jit3A_1398 = arith.constant 1.280000e+03 : f32
    %broadcast_in_dim3A_1399 = vector.broadcast %jit3A_1398 : f32 to vector<128x128xf32>
    %select_n3A_1400 = arith.select %lt3A_1396, %broadcast_in_dim3A_1399, %select_n3A_1388 : vector<128x128xi1>, vector<128x128xf32>
    %reduce_min3A_1401 = arith.constant dense<0x7F800000> : vector<128xf32>
    %reduce_min3A_1402 = vector.multi_reduction <minimumf>, %select_n3A_1397, %reduce_min3A_1401 [1] : vector<128x128xf32> to vector<128xf32>
    %broadcast_in_dim3A_1403 = vector.shape_cast %reduce_min3A_1402 : vector<128xf32> to vector<128x1xf32>
    %eq3A_1404 = vector.broadcast %broadcast_in_dim3A_1403 : vector<128x1xf32> to vector<128x128xf32>
    %eq3A_1405 = arith.cmpf oeq, %select_n3A_1397, %eq3A_1404 : vector<128x128xf32>
    %add3A_1406 = arith.addf %select_n3A_1400, %convert_element_type3A_15 : vector<128x128xf32>
    %jit3A_1407 = arith.constant 4.096000e+03 : f32
    %broadcast_in_dim3A_1408 = vector.broadcast %jit3A_1407 : f32 to vector<128x128xf32>
    %select_n3A_1409 = arith.select %eq3A_1405, %add3A_1406, %broadcast_in_dim3A_1408 : vector<128x128xi1>, vector<128x128xf32>
    %reduce_min3A_1410 = arith.constant dense<0x7F800000> : vector<128xf32>
    %reduce_min3A_1411 = vector.multi_reduction <minimumf>, %select_n3A_1409, %reduce_min3A_1410 [1] : vector<128x128xf32> to vector<128xf32>
    %convert_element_type3A_1412 = arith.truncf %reduce_min3A_1402 : vector<128xf32> to vector<128xbf16>
    %convert_element_type3A_1413 = arith.extf %convert_element_type3A_1412 : vector<128xbf16> to vector<128xf32>
    %slice3A_1414 = vector.extract_strided_slice %dot_general3A_10 {offsets = [384, 1408], sizes = [128, 128], strides = [1, 1]} : vector<512x4096xf32> to vector<128x128xf32>
    %sub3A_1415 = vector.broadcast %slice3A_1271 : vector<128x1xf32> to vector<128x128xf32>
    %sub3A_1416 = arith.subf %sub3A_1415, %slice3A_1414 : vector<128x128xf32>
    %slice3A_1417 = vector.extract_strided_slice %get3A_14 {offsets = [1408], sizes = [128], strides = [1]} : vector<4096xf32> to vector<128xf32>
    %broadcast_in_dim3A_1418 = vector.shape_cast %slice3A_1417 : vector<128xf32> to vector<1x128xf32>
    %add3A_1419 = vector.broadcast %broadcast_in_dim3A_1418 : vector<1x128xf32> to vector<128x128xf32>
    %add3A_1420 = arith.addf %sub3A_1416, %add3A_1419 : vector<128x128xf32>
    %broadcast_in_dim3A_1421 = arith.constant 1.408000e+03 : f32
    %broadcast_in_dim3A_1422 = vector.broadcast %broadcast_in_dim3A_1421 : f32 to vector<128x128xf32>
    %slice3A_1423 = vector.extract_strided_slice %dot_general3A_10 {offsets = [384, 1536], sizes = [128, 128], strides = [1, 1]} : vector<512x4096xf32> to vector<128x128xf32>
    %sub3A_1424 = vector.broadcast %slice3A_1271 : vector<128x1xf32> to vector<128x128xf32>
    %sub3A_1425 = arith.subf %sub3A_1424, %slice3A_1423 : vector<128x128xf32>
    %slice3A_1426 = vector.extract_strided_slice %get3A_14 {offsets = [1536], sizes = [128], strides = [1]} : vector<4096xf32> to vector<128xf32>
    %broadcast_in_dim3A_1427 = vector.shape_cast %slice3A_1426 : vector<128xf32> to vector<1x128xf32>
    %add3A_1428 = vector.broadcast %broadcast_in_dim3A_1427 : vector<1x128xf32> to vector<128x128xf32>
    %add3A_1429 = arith.addf %sub3A_1425, %add3A_1428 : vector<128x128xf32>
    %lt3A_1430 = arith.cmpf olt, %add3A_1429, %add3A_1420 : vector<128x128xf32>
    %select_n3A_1431 = arith.select %lt3A_1430, %add3A_1429, %add3A_1420 : vector<128x128xi1>, vector<128x128xf32>
    %jit3A_1432 = arith.constant 1.536000e+03 : f32
    %broadcast_in_dim3A_1433 = vector.broadcast %jit3A_1432 : f32 to vector<128x128xf32>
    %select_n3A_1434 = arith.select %lt3A_1430, %broadcast_in_dim3A_1433, %broadcast_in_dim3A_1422 : vector<128x128xi1>, vector<128x128xf32>
    %slice3A_1435 = vector.extract_strided_slice %dot_general3A_10 {offsets = [384, 1664], sizes = [128, 128], strides = [1, 1]} : vector<512x4096xf32> to vector<128x128xf32>
    %sub3A_1436 = vector.broadcast %slice3A_1271 : vector<128x1xf32> to vector<128x128xf32>
    %sub3A_1437 = arith.subf %sub3A_1436, %slice3A_1435 : vector<128x128xf32>
    %slice3A_1438 = vector.extract_strided_slice %get3A_14 {offsets = [1664], sizes = [128], strides = [1]} : vector<4096xf32> to vector<128xf32>
    %broadcast_in_dim3A_1439 = vector.shape_cast %slice3A_1438 : vector<128xf32> to vector<1x128xf32>
    %add3A_1440 = vector.broadcast %broadcast_in_dim3A_1439 : vector<1x128xf32> to vector<128x128xf32>
    %add3A_1441 = arith.addf %sub3A_1437, %add3A_1440 : vector<128x128xf32>
    %lt3A_1442 = arith.cmpf olt, %add3A_1441, %select_n3A_1431 : vector<128x128xf32>
    %select_n3A_1443 = arith.select %lt3A_1442, %add3A_1441, %select_n3A_1431 : vector<128x128xi1>, vector<128x128xf32>
    %jit3A_1444 = arith.constant 1.664000e+03 : f32
    %broadcast_in_dim3A_1445 = vector.broadcast %jit3A_1444 : f32 to vector<128x128xf32>
    %select_n3A_1446 = arith.select %lt3A_1442, %broadcast_in_dim3A_1445, %select_n3A_1434 : vector<128x128xi1>, vector<128x128xf32>
    %slice3A_1447 = vector.extract_strided_slice %dot_general3A_10 {offsets = [384, 1792], sizes = [128, 128], strides = [1, 1]} : vector<512x4096xf32> to vector<128x128xf32>
    %sub3A_1448 = vector.broadcast %slice3A_1271 : vector<128x1xf32> to vector<128x128xf32>
    %sub3A_1449 = arith.subf %sub3A_1448, %slice3A_1447 : vector<128x128xf32>
    %slice3A_1450 = vector.extract_strided_slice %get3A_14 {offsets = [1792], sizes = [128], strides = [1]} : vector<4096xf32> to vector<128xf32>
    %broadcast_in_dim3A_1451 = vector.shape_cast %slice3A_1450 : vector<128xf32> to vector<1x128xf32>
    %add3A_1452 = vector.broadcast %broadcast_in_dim3A_1451 : vector<1x128xf32> to vector<128x128xf32>
    %add3A_1453 = arith.addf %sub3A_1449, %add3A_1452 : vector<128x128xf32>
    %lt3A_1454 = arith.cmpf olt, %add3A_1453, %select_n3A_1443 : vector<128x128xf32>
    %select_n3A_1455 = arith.select %lt3A_1454, %add3A_1453, %select_n3A_1443 : vector<128x128xi1>, vector<128x128xf32>
    %jit3A_1456 = arith.constant 1.792000e+03 : f32
    %broadcast_in_dim3A_1457 = vector.broadcast %jit3A_1456 : f32 to vector<128x128xf32>
    %select_n3A_1458 = arith.select %lt3A_1454, %broadcast_in_dim3A_1457, %select_n3A_1446 : vector<128x128xi1>, vector<128x128xf32>
    %slice3A_1459 = vector.extract_strided_slice %dot_general3A_10 {offsets = [384, 1920], sizes = [128, 128], strides = [1, 1]} : vector<512x4096xf32> to vector<128x128xf32>
    %sub3A_1460 = vector.broadcast %slice3A_1271 : vector<128x1xf32> to vector<128x128xf32>
    %sub3A_1461 = arith.subf %sub3A_1460, %slice3A_1459 : vector<128x128xf32>
    %slice3A_1462 = vector.extract_strided_slice %get3A_14 {offsets = [1920], sizes = [128], strides = [1]} : vector<4096xf32> to vector<128xf32>
    %broadcast_in_dim3A_1463 = vector.shape_cast %slice3A_1462 : vector<128xf32> to vector<1x128xf32>
    %add3A_1464 = vector.broadcast %broadcast_in_dim3A_1463 : vector<1x128xf32> to vector<128x128xf32>
    %add3A_1465 = arith.addf %sub3A_1461, %add3A_1464 : vector<128x128xf32>
    %lt3A_1466 = arith.cmpf olt, %add3A_1465, %select_n3A_1455 : vector<128x128xf32>
    %select_n3A_1467 = arith.select %lt3A_1466, %add3A_1465, %select_n3A_1455 : vector<128x128xi1>, vector<128x128xf32>
    %jit3A_1468 = arith.constant 1.920000e+03 : f32
    %broadcast_in_dim3A_1469 = vector.broadcast %jit3A_1468 : f32 to vector<128x128xf32>
    %select_n3A_1470 = arith.select %lt3A_1466, %broadcast_in_dim3A_1469, %select_n3A_1458 : vector<128x128xi1>, vector<128x128xf32>
    %slice3A_1471 = vector.extract_strided_slice %dot_general3A_10 {offsets = [384, 2048], sizes = [128, 128], strides = [1, 1]} : vector<512x4096xf32> to vector<128x128xf32>
    %sub3A_1472 = vector.broadcast %slice3A_1271 : vector<128x1xf32> to vector<128x128xf32>
    %sub3A_1473 = arith.subf %sub3A_1472, %slice3A_1471 : vector<128x128xf32>
    %slice3A_1474 = vector.extract_strided_slice %get3A_14 {offsets = [2048], sizes = [128], strides = [1]} : vector<4096xf32> to vector<128xf32>
    %broadcast_in_dim3A_1475 = vector.shape_cast %slice3A_1474 : vector<128xf32> to vector<1x128xf32>
    %add3A_1476 = vector.broadcast %broadcast_in_dim3A_1475 : vector<1x128xf32> to vector<128x128xf32>
    %add3A_1477 = arith.addf %sub3A_1473, %add3A_1476 : vector<128x128xf32>
    %lt3A_1478 = arith.cmpf olt, %add3A_1477, %select_n3A_1467 : vector<128x128xf32>
    %select_n3A_1479 = arith.select %lt3A_1478, %add3A_1477, %select_n3A_1467 : vector<128x128xi1>, vector<128x128xf32>
    %jit3A_1480 = arith.constant 2.048000e+03 : f32
    %broadcast_in_dim3A_1481 = vector.broadcast %jit3A_1480 : f32 to vector<128x128xf32>
    %select_n3A_1482 = arith.select %lt3A_1478, %broadcast_in_dim3A_1481, %select_n3A_1470 : vector<128x128xi1>, vector<128x128xf32>
    %slice3A_1483 = vector.extract_strided_slice %dot_general3A_10 {offsets = [384, 2176], sizes = [128, 128], strides = [1, 1]} : vector<512x4096xf32> to vector<128x128xf32>
    %sub3A_1484 = vector.broadcast %slice3A_1271 : vector<128x1xf32> to vector<128x128xf32>
    %sub3A_1485 = arith.subf %sub3A_1484, %slice3A_1483 : vector<128x128xf32>
    %slice3A_1486 = vector.extract_strided_slice %get3A_14 {offsets = [2176], sizes = [128], strides = [1]} : vector<4096xf32> to vector<128xf32>
    %broadcast_in_dim3A_1487 = vector.shape_cast %slice3A_1486 : vector<128xf32> to vector<1x128xf32>
    %add3A_1488 = vector.broadcast %broadcast_in_dim3A_1487 : vector<1x128xf32> to vector<128x128xf32>
    %add3A_1489 = arith.addf %sub3A_1485, %add3A_1488 : vector<128x128xf32>
    %lt3A_1490 = arith.cmpf olt, %add3A_1489, %select_n3A_1479 : vector<128x128xf32>
    %select_n3A_1491 = arith.select %lt3A_1490, %add3A_1489, %select_n3A_1479 : vector<128x128xi1>, vector<128x128xf32>
    %jit3A_1492 = arith.constant 2.176000e+03 : f32
    %broadcast_in_dim3A_1493 = vector.broadcast %jit3A_1492 : f32 to vector<128x128xf32>
    %select_n3A_1494 = arith.select %lt3A_1490, %broadcast_in_dim3A_1493, %select_n3A_1482 : vector<128x128xi1>, vector<128x128xf32>
    %slice3A_1495 = vector.extract_strided_slice %dot_general3A_10 {offsets = [384, 2304], sizes = [128, 128], strides = [1, 1]} : vector<512x4096xf32> to vector<128x128xf32>
    %sub3A_1496 = vector.broadcast %slice3A_1271 : vector<128x1xf32> to vector<128x128xf32>
    %sub3A_1497 = arith.subf %sub3A_1496, %slice3A_1495 : vector<128x128xf32>
    %slice3A_1498 = vector.extract_strided_slice %get3A_14 {offsets = [2304], sizes = [128], strides = [1]} : vector<4096xf32> to vector<128xf32>
    %broadcast_in_dim3A_1499 = vector.shape_cast %slice3A_1498 : vector<128xf32> to vector<1x128xf32>
    %add3A_1500 = vector.broadcast %broadcast_in_dim3A_1499 : vector<1x128xf32> to vector<128x128xf32>
    %add3A_1501 = arith.addf %sub3A_1497, %add3A_1500 : vector<128x128xf32>
    %lt3A_1502 = arith.cmpf olt, %add3A_1501, %select_n3A_1491 : vector<128x128xf32>
    %select_n3A_1503 = arith.select %lt3A_1502, %add3A_1501, %select_n3A_1491 : vector<128x128xi1>, vector<128x128xf32>
    %jit3A_1504 = arith.constant 2.304000e+03 : f32
    %broadcast_in_dim3A_1505 = vector.broadcast %jit3A_1504 : f32 to vector<128x128xf32>
    %select_n3A_1506 = arith.select %lt3A_1502, %broadcast_in_dim3A_1505, %select_n3A_1494 : vector<128x128xi1>, vector<128x128xf32>
    %slice3A_1507 = vector.extract_strided_slice %dot_general3A_10 {offsets = [384, 2432], sizes = [128, 128], strides = [1, 1]} : vector<512x4096xf32> to vector<128x128xf32>
    %sub3A_1508 = vector.broadcast %slice3A_1271 : vector<128x1xf32> to vector<128x128xf32>
    %sub3A_1509 = arith.subf %sub3A_1508, %slice3A_1507 : vector<128x128xf32>
    %slice3A_1510 = vector.extract_strided_slice %get3A_14 {offsets = [2432], sizes = [128], strides = [1]} : vector<4096xf32> to vector<128xf32>
    %broadcast_in_dim3A_1511 = vector.shape_cast %slice3A_1510 : vector<128xf32> to vector<1x128xf32>
    %add3A_1512 = vector.broadcast %broadcast_in_dim3A_1511 : vector<1x128xf32> to vector<128x128xf32>
    %add3A_1513 = arith.addf %sub3A_1509, %add3A_1512 : vector<128x128xf32>
    %lt3A_1514 = arith.cmpf olt, %add3A_1513, %select_n3A_1503 : vector<128x128xf32>
    %select_n3A_1515 = arith.select %lt3A_1514, %add3A_1513, %select_n3A_1503 : vector<128x128xi1>, vector<128x128xf32>
    %jit3A_1516 = arith.constant 2.432000e+03 : f32
    %broadcast_in_dim3A_1517 = vector.broadcast %jit3A_1516 : f32 to vector<128x128xf32>
    %select_n3A_1518 = arith.select %lt3A_1514, %broadcast_in_dim3A_1517, %select_n3A_1506 : vector<128x128xi1>, vector<128x128xf32>
    %slice3A_1519 = vector.extract_strided_slice %dot_general3A_10 {offsets = [384, 2560], sizes = [128, 128], strides = [1, 1]} : vector<512x4096xf32> to vector<128x128xf32>
    %sub3A_1520 = vector.broadcast %slice3A_1271 : vector<128x1xf32> to vector<128x128xf32>
    %sub3A_1521 = arith.subf %sub3A_1520, %slice3A_1519 : vector<128x128xf32>
    %slice3A_1522 = vector.extract_strided_slice %get3A_14 {offsets = [2560], sizes = [128], strides = [1]} : vector<4096xf32> to vector<128xf32>
    %broadcast_in_dim3A_1523 = vector.shape_cast %slice3A_1522 : vector<128xf32> to vector<1x128xf32>
    %add3A_1524 = vector.broadcast %broadcast_in_dim3A_1523 : vector<1x128xf32> to vector<128x128xf32>
    %add3A_1525 = arith.addf %sub3A_1521, %add3A_1524 : vector<128x128xf32>
    %lt3A_1526 = arith.cmpf olt, %add3A_1525, %select_n3A_1515 : vector<128x128xf32>
    %select_n3A_1527 = arith.select %lt3A_1526, %add3A_1525, %select_n3A_1515 : vector<128x128xi1>, vector<128x128xf32>
    %jit3A_1528 = arith.constant 2.560000e+03 : f32
    %broadcast_in_dim3A_1529 = vector.broadcast %jit3A_1528 : f32 to vector<128x128xf32>
    %select_n3A_1530 = arith.select %lt3A_1526, %broadcast_in_dim3A_1529, %select_n3A_1518 : vector<128x128xi1>, vector<128x128xf32>
    %slice3A_1531 = vector.extract_strided_slice %dot_general3A_10 {offsets = [384, 2688], sizes = [128, 128], strides = [1, 1]} : vector<512x4096xf32> to vector<128x128xf32>
    %sub3A_1532 = vector.broadcast %slice3A_1271 : vector<128x1xf32> to vector<128x128xf32>
    %sub3A_1533 = arith.subf %sub3A_1532, %slice3A_1531 : vector<128x128xf32>
    %slice3A_1534 = vector.extract_strided_slice %get3A_14 {offsets = [2688], sizes = [128], strides = [1]} : vector<4096xf32> to vector<128xf32>
    %broadcast_in_dim3A_1535 = vector.shape_cast %slice3A_1534 : vector<128xf32> to vector<1x128xf32>
    %add3A_1536 = vector.broadcast %broadcast_in_dim3A_1535 : vector<1x128xf32> to vector<128x128xf32>
    %add3A_1537 = arith.addf %sub3A_1533, %add3A_1536 : vector<128x128xf32>
    %lt3A_1538 = arith.cmpf olt, %add3A_1537, %select_n3A_1527 : vector<128x128xf32>
    %select_n3A_1539 = arith.select %lt3A_1538, %add3A_1537, %select_n3A_1527 : vector<128x128xi1>, vector<128x128xf32>
    %jit3A_1540 = arith.constant 2.688000e+03 : f32
    %broadcast_in_dim3A_1541 = vector.broadcast %jit3A_1540 : f32 to vector<128x128xf32>
    %select_n3A_1542 = arith.select %lt3A_1538, %broadcast_in_dim3A_1541, %select_n3A_1530 : vector<128x128xi1>, vector<128x128xf32>
    %reduce_min3A_1543 = arith.constant dense<0x7F800000> : vector<128xf32>
    %reduce_min3A_1544 = vector.multi_reduction <minimumf>, %select_n3A_1539, %reduce_min3A_1543 [1] : vector<128x128xf32> to vector<128xf32>
    %broadcast_in_dim3A_1545 = vector.shape_cast %reduce_min3A_1544 : vector<128xf32> to vector<128x1xf32>
    %eq3A_1546 = vector.broadcast %broadcast_in_dim3A_1545 : vector<128x1xf32> to vector<128x128xf32>
    %eq3A_1547 = arith.cmpf oeq, %select_n3A_1539, %eq3A_1546 : vector<128x128xf32>
    %add3A_1548 = arith.addf %select_n3A_1542, %convert_element_type3A_15 : vector<128x128xf32>
    %jit3A_1549 = arith.constant 4.096000e+03 : f32
    %broadcast_in_dim3A_1550 = vector.broadcast %jit3A_1549 : f32 to vector<128x128xf32>
    %select_n3A_1551 = arith.select %eq3A_1547, %add3A_1548, %broadcast_in_dim3A_1550 : vector<128x128xi1>, vector<128x128xf32>
    %reduce_min3A_1552 = arith.constant dense<0x7F800000> : vector<128xf32>
    %reduce_min3A_1553 = vector.multi_reduction <minimumf>, %select_n3A_1551, %reduce_min3A_1552 [1] : vector<128x128xf32> to vector<128xf32>
    %convert_element_type3A_1554 = arith.truncf %reduce_min3A_1544 : vector<128xf32> to vector<128xbf16>
    %convert_element_type3A_1555 = arith.extf %convert_element_type3A_1554 : vector<128xbf16> to vector<128xf32>
    %lt3A_1556 = arith.cmpf olt, %reduce_min3A_1544, %convert_element_type3A_1413 : vector<128xf32>
    %select_n3A_1557 = arith.select %lt3A_1556, %convert_element_type3A_1555, %convert_element_type3A_1413 : vector<128xi1>, vector<128xf32>
    %select_n3A_1558 = arith.select %lt3A_1556, %reduce_min3A_1553, %reduce_min3A_1411 : vector<128xi1>, vector<128xf32>
    %slice3A_1559 = vector.extract_strided_slice %dot_general3A_10 {offsets = [384, 2816], sizes = [128, 128], strides = [1, 1]} : vector<512x4096xf32> to vector<128x128xf32>
    %sub3A_1560 = vector.broadcast %slice3A_1271 : vector<128x1xf32> to vector<128x128xf32>
    %sub3A_1561 = arith.subf %sub3A_1560, %slice3A_1559 : vector<128x128xf32>
    %slice3A_1562 = vector.extract_strided_slice %get3A_14 {offsets = [2816], sizes = [128], strides = [1]} : vector<4096xf32> to vector<128xf32>
    %broadcast_in_dim3A_1563 = vector.shape_cast %slice3A_1562 : vector<128xf32> to vector<1x128xf32>
    %add3A_1564 = vector.broadcast %broadcast_in_dim3A_1563 : vector<1x128xf32> to vector<128x128xf32>
    %add3A_1565 = arith.addf %sub3A_1561, %add3A_1564 : vector<128x128xf32>
    %broadcast_in_dim3A_1566 = arith.constant 2.816000e+03 : f32
    %broadcast_in_dim3A_1567 = vector.broadcast %broadcast_in_dim3A_1566 : f32 to vector<128x128xf32>
    %slice3A_1568 = vector.extract_strided_slice %dot_general3A_10 {offsets = [384, 2944], sizes = [128, 128], strides = [1, 1]} : vector<512x4096xf32> to vector<128x128xf32>
    %sub3A_1569 = vector.broadcast %slice3A_1271 : vector<128x1xf32> to vector<128x128xf32>
    %sub3A_1570 = arith.subf %sub3A_1569, %slice3A_1568 : vector<128x128xf32>
    %slice3A_1571 = vector.extract_strided_slice %get3A_14 {offsets = [2944], sizes = [128], strides = [1]} : vector<4096xf32> to vector<128xf32>
    %broadcast_in_dim3A_1572 = vector.shape_cast %slice3A_1571 : vector<128xf32> to vector<1x128xf32>
    %add3A_1573 = vector.broadcast %broadcast_in_dim3A_1572 : vector<1x128xf32> to vector<128x128xf32>
    %add3A_1574 = arith.addf %sub3A_1570, %add3A_1573 : vector<128x128xf32>
    %lt3A_1575 = arith.cmpf olt, %add3A_1574, %add3A_1565 : vector<128x128xf32>
    %select_n3A_1576 = arith.select %lt3A_1575, %add3A_1574, %add3A_1565 : vector<128x128xi1>, vector<128x128xf32>
    %jit3A_1577 = arith.constant 2.944000e+03 : f32
    %broadcast_in_dim3A_1578 = vector.broadcast %jit3A_1577 : f32 to vector<128x128xf32>
    %select_n3A_1579 = arith.select %lt3A_1575, %broadcast_in_dim3A_1578, %broadcast_in_dim3A_1567 : vector<128x128xi1>, vector<128x128xf32>
    %slice3A_1580 = vector.extract_strided_slice %dot_general3A_10 {offsets = [384, 3072], sizes = [128, 128], strides = [1, 1]} : vector<512x4096xf32> to vector<128x128xf32>
    %sub3A_1581 = vector.broadcast %slice3A_1271 : vector<128x1xf32> to vector<128x128xf32>
    %sub3A_1582 = arith.subf %sub3A_1581, %slice3A_1580 : vector<128x128xf32>
    %slice3A_1583 = vector.extract_strided_slice %get3A_14 {offsets = [3072], sizes = [128], strides = [1]} : vector<4096xf32> to vector<128xf32>
    %broadcast_in_dim3A_1584 = vector.shape_cast %slice3A_1583 : vector<128xf32> to vector<1x128xf32>
    %add3A_1585 = vector.broadcast %broadcast_in_dim3A_1584 : vector<1x128xf32> to vector<128x128xf32>
    %add3A_1586 = arith.addf %sub3A_1582, %add3A_1585 : vector<128x128xf32>
    %lt3A_1587 = arith.cmpf olt, %add3A_1586, %select_n3A_1576 : vector<128x128xf32>
    %select_n3A_1588 = arith.select %lt3A_1587, %add3A_1586, %select_n3A_1576 : vector<128x128xi1>, vector<128x128xf32>
    %jit3A_1589 = arith.constant 3.072000e+03 : f32
    %broadcast_in_dim3A_1590 = vector.broadcast %jit3A_1589 : f32 to vector<128x128xf32>
    %select_n3A_1591 = arith.select %lt3A_1587, %broadcast_in_dim3A_1590, %select_n3A_1579 : vector<128x128xi1>, vector<128x128xf32>
    %slice3A_1592 = vector.extract_strided_slice %dot_general3A_10 {offsets = [384, 3200], sizes = [128, 128], strides = [1, 1]} : vector<512x4096xf32> to vector<128x128xf32>
    %sub3A_1593 = vector.broadcast %slice3A_1271 : vector<128x1xf32> to vector<128x128xf32>
    %sub3A_1594 = arith.subf %sub3A_1593, %slice3A_1592 : vector<128x128xf32>
    %slice3A_1595 = vector.extract_strided_slice %get3A_14 {offsets = [3200], sizes = [128], strides = [1]} : vector<4096xf32> to vector<128xf32>
    %broadcast_in_dim3A_1596 = vector.shape_cast %slice3A_1595 : vector<128xf32> to vector<1x128xf32>
    %add3A_1597 = vector.broadcast %broadcast_in_dim3A_1596 : vector<1x128xf32> to vector<128x128xf32>
    %add3A_1598 = arith.addf %sub3A_1594, %add3A_1597 : vector<128x128xf32>
    %lt3A_1599 = arith.cmpf olt, %add3A_1598, %select_n3A_1588 : vector<128x128xf32>
    %select_n3A_1600 = arith.select %lt3A_1599, %add3A_1598, %select_n3A_1588 : vector<128x128xi1>, vector<128x128xf32>
    %jit3A_1601 = arith.constant 3.200000e+03 : f32
    %broadcast_in_dim3A_1602 = vector.broadcast %jit3A_1601 : f32 to vector<128x128xf32>
    %select_n3A_1603 = arith.select %lt3A_1599, %broadcast_in_dim3A_1602, %select_n3A_1591 : vector<128x128xi1>, vector<128x128xf32>
    %slice3A_1604 = vector.extract_strided_slice %dot_general3A_10 {offsets = [384, 3328], sizes = [128, 128], strides = [1, 1]} : vector<512x4096xf32> to vector<128x128xf32>
    %sub3A_1605 = vector.broadcast %slice3A_1271 : vector<128x1xf32> to vector<128x128xf32>
    %sub3A_1606 = arith.subf %sub3A_1605, %slice3A_1604 : vector<128x128xf32>
    %slice3A_1607 = vector.extract_strided_slice %get3A_14 {offsets = [3328], sizes = [128], strides = [1]} : vector<4096xf32> to vector<128xf32>
    %broadcast_in_dim3A_1608 = vector.shape_cast %slice3A_1607 : vector<128xf32> to vector<1x128xf32>
    %add3A_1609 = vector.broadcast %broadcast_in_dim3A_1608 : vector<1x128xf32> to vector<128x128xf32>
    %add3A_1610 = arith.addf %sub3A_1606, %add3A_1609 : vector<128x128xf32>
    %lt3A_1611 = arith.cmpf olt, %add3A_1610, %select_n3A_1600 : vector<128x128xf32>
    %select_n3A_1612 = arith.select %lt3A_1611, %add3A_1610, %select_n3A_1600 : vector<128x128xi1>, vector<128x128xf32>
    %jit3A_1613 = arith.constant 3.328000e+03 : f32
    %broadcast_in_dim3A_1614 = vector.broadcast %jit3A_1613 : f32 to vector<128x128xf32>
    %select_n3A_1615 = arith.select %lt3A_1611, %broadcast_in_dim3A_1614, %select_n3A_1603 : vector<128x128xi1>, vector<128x128xf32>
    %slice3A_1616 = vector.extract_strided_slice %dot_general3A_10 {offsets = [384, 3456], sizes = [128, 128], strides = [1, 1]} : vector<512x4096xf32> to vector<128x128xf32>
    %sub3A_1617 = vector.broadcast %slice3A_1271 : vector<128x1xf32> to vector<128x128xf32>
    %sub3A_1618 = arith.subf %sub3A_1617, %slice3A_1616 : vector<128x128xf32>
    %slice3A_1619 = vector.extract_strided_slice %get3A_14 {offsets = [3456], sizes = [128], strides = [1]} : vector<4096xf32> to vector<128xf32>
    %broadcast_in_dim3A_1620 = vector.shape_cast %slice3A_1619 : vector<128xf32> to vector<1x128xf32>
    %add3A_1621 = vector.broadcast %broadcast_in_dim3A_1620 : vector<1x128xf32> to vector<128x128xf32>
    %add3A_1622 = arith.addf %sub3A_1618, %add3A_1621 : vector<128x128xf32>
    %lt3A_1623 = arith.cmpf olt, %add3A_1622, %select_n3A_1612 : vector<128x128xf32>
    %select_n3A_1624 = arith.select %lt3A_1623, %add3A_1622, %select_n3A_1612 : vector<128x128xi1>, vector<128x128xf32>
    %jit3A_1625 = arith.constant 3.456000e+03 : f32
    %broadcast_in_dim3A_1626 = vector.broadcast %jit3A_1625 : f32 to vector<128x128xf32>
    %select_n3A_1627 = arith.select %lt3A_1623, %broadcast_in_dim3A_1626, %select_n3A_1615 : vector<128x128xi1>, vector<128x128xf32>
    %slice3A_1628 = vector.extract_strided_slice %dot_general3A_10 {offsets = [384, 3584], sizes = [128, 128], strides = [1, 1]} : vector<512x4096xf32> to vector<128x128xf32>
    %sub3A_1629 = vector.broadcast %slice3A_1271 : vector<128x1xf32> to vector<128x128xf32>
    %sub3A_1630 = arith.subf %sub3A_1629, %slice3A_1628 : vector<128x128xf32>
    %slice3A_1631 = vector.extract_strided_slice %get3A_14 {offsets = [3584], sizes = [128], strides = [1]} : vector<4096xf32> to vector<128xf32>
    %broadcast_in_dim3A_1632 = vector.shape_cast %slice3A_1631 : vector<128xf32> to vector<1x128xf32>
    %add3A_1633 = vector.broadcast %broadcast_in_dim3A_1632 : vector<1x128xf32> to vector<128x128xf32>
    %add3A_1634 = arith.addf %sub3A_1630, %add3A_1633 : vector<128x128xf32>
    %lt3A_1635 = arith.cmpf olt, %add3A_1634, %select_n3A_1624 : vector<128x128xf32>
    %select_n3A_1636 = arith.select %lt3A_1635, %add3A_1634, %select_n3A_1624 : vector<128x128xi1>, vector<128x128xf32>
    %jit3A_1637 = arith.constant 3.584000e+03 : f32
    %broadcast_in_dim3A_1638 = vector.broadcast %jit3A_1637 : f32 to vector<128x128xf32>
    %select_n3A_1639 = arith.select %lt3A_1635, %broadcast_in_dim3A_1638, %select_n3A_1627 : vector<128x128xi1>, vector<128x128xf32>
    %slice3A_1640 = vector.extract_strided_slice %dot_general3A_10 {offsets = [384, 3712], sizes = [128, 128], strides = [1, 1]} : vector<512x4096xf32> to vector<128x128xf32>
    %sub3A_1641 = vector.broadcast %slice3A_1271 : vector<128x1xf32> to vector<128x128xf32>
    %sub3A_1642 = arith.subf %sub3A_1641, %slice3A_1640 : vector<128x128xf32>
    %slice3A_1643 = vector.extract_strided_slice %get3A_14 {offsets = [3712], sizes = [128], strides = [1]} : vector<4096xf32> to vector<128xf32>
    %broadcast_in_dim3A_1644 = vector.shape_cast %slice3A_1643 : vector<128xf32> to vector<1x128xf32>
    %add3A_1645 = vector.broadcast %broadcast_in_dim3A_1644 : vector<1x128xf32> to vector<128x128xf32>
    %add3A_1646 = arith.addf %sub3A_1642, %add3A_1645 : vector<128x128xf32>
    %lt3A_1647 = arith.cmpf olt, %add3A_1646, %select_n3A_1636 : vector<128x128xf32>
    %select_n3A_1648 = arith.select %lt3A_1647, %add3A_1646, %select_n3A_1636 : vector<128x128xi1>, vector<128x128xf32>
    %jit3A_1649 = arith.constant 3.712000e+03 : f32
    %broadcast_in_dim3A_1650 = vector.broadcast %jit3A_1649 : f32 to vector<128x128xf32>
    %select_n3A_1651 = arith.select %lt3A_1647, %broadcast_in_dim3A_1650, %select_n3A_1639 : vector<128x128xi1>, vector<128x128xf32>
    %slice3A_1652 = vector.extract_strided_slice %dot_general3A_10 {offsets = [384, 3840], sizes = [128, 128], strides = [1, 1]} : vector<512x4096xf32> to vector<128x128xf32>
    %sub3A_1653 = vector.broadcast %slice3A_1271 : vector<128x1xf32> to vector<128x128xf32>
    %sub3A_1654 = arith.subf %sub3A_1653, %slice3A_1652 : vector<128x128xf32>
    %slice3A_1655 = vector.extract_strided_slice %get3A_14 {offsets = [3840], sizes = [128], strides = [1]} : vector<4096xf32> to vector<128xf32>
    %broadcast_in_dim3A_1656 = vector.shape_cast %slice3A_1655 : vector<128xf32> to vector<1x128xf32>
    %add3A_1657 = vector.broadcast %broadcast_in_dim3A_1656 : vector<1x128xf32> to vector<128x128xf32>
    %add3A_1658 = arith.addf %sub3A_1654, %add3A_1657 : vector<128x128xf32>
    %lt3A_1659 = arith.cmpf olt, %add3A_1658, %select_n3A_1648 : vector<128x128xf32>
    %select_n3A_1660 = arith.select %lt3A_1659, %add3A_1658, %select_n3A_1648 : vector<128x128xi1>, vector<128x128xf32>
    %jit3A_1661 = arith.constant 3.840000e+03 : f32
    %broadcast_in_dim3A_1662 = vector.broadcast %jit3A_1661 : f32 to vector<128x128xf32>
    %select_n3A_1663 = arith.select %lt3A_1659, %broadcast_in_dim3A_1662, %select_n3A_1651 : vector<128x128xi1>, vector<128x128xf32>
    %slice3A_1664 = vector.extract_strided_slice %dot_general3A_10 {offsets = [384, 3968], sizes = [128, 128], strides = [1, 1]} : vector<512x4096xf32> to vector<128x128xf32>
    %sub3A_1665 = vector.broadcast %slice3A_1271 : vector<128x1xf32> to vector<128x128xf32>
    %sub3A_1666 = arith.subf %sub3A_1665, %slice3A_1664 : vector<128x128xf32>
    %slice3A_1667 = vector.extract_strided_slice %get3A_14 {offsets = [3968], sizes = [128], strides = [1]} : vector<4096xf32> to vector<128xf32>
    %broadcast_in_dim3A_1668 = vector.shape_cast %slice3A_1667 : vector<128xf32> to vector<1x128xf32>
    %add3A_1669 = vector.broadcast %broadcast_in_dim3A_1668 : vector<1x128xf32> to vector<128x128xf32>
    %add3A_1670 = arith.addf %sub3A_1666, %add3A_1669 : vector<128x128xf32>
    %lt3A_1671 = arith.cmpf olt, %add3A_1670, %select_n3A_1660 : vector<128x128xf32>
    %select_n3A_1672 = arith.select %lt3A_1671, %add3A_1670, %select_n3A_1660 : vector<128x128xi1>, vector<128x128xf32>
    %jit3A_1673 = arith.constant 3.968000e+03 : f32
    %broadcast_in_dim3A_1674 = vector.broadcast %jit3A_1673 : f32 to vector<128x128xf32>
    %select_n3A_1675 = arith.select %lt3A_1671, %broadcast_in_dim3A_1674, %select_n3A_1663 : vector<128x128xi1>, vector<128x128xf32>
    %reduce_min3A_1676 = arith.constant dense<0x7F800000> : vector<128xf32>
    %reduce_min3A_1677 = vector.multi_reduction <minimumf>, %select_n3A_1672, %reduce_min3A_1676 [1] : vector<128x128xf32> to vector<128xf32>
    %broadcast_in_dim3A_1678 = vector.shape_cast %reduce_min3A_1677 : vector<128xf32> to vector<128x1xf32>
    %eq3A_1679 = vector.broadcast %broadcast_in_dim3A_1678 : vector<128x1xf32> to vector<128x128xf32>
    %eq3A_1680 = arith.cmpf oeq, %select_n3A_1672, %eq3A_1679 : vector<128x128xf32>
    %add3A_1681 = arith.addf %select_n3A_1675, %convert_element_type3A_15 : vector<128x128xf32>
    %jit3A_1682 = arith.constant 4.096000e+03 : f32
    %broadcast_in_dim3A_1683 = vector.broadcast %jit3A_1682 : f32 to vector<128x128xf32>
    %select_n3A_1684 = arith.select %eq3A_1680, %add3A_1681, %broadcast_in_dim3A_1683 : vector<128x128xi1>, vector<128x128xf32>
    %reduce_min3A_1685 = arith.constant dense<0x7F800000> : vector<128xf32>
    %reduce_min3A_1686 = vector.multi_reduction <minimumf>, %select_n3A_1684, %reduce_min3A_1685 [1] : vector<128x128xf32> to vector<128xf32>
    %lt3A_1687 = arith.cmpf olt, %reduce_min3A_1677, %select_n3A_1557 : vector<128xf32>
    %select_n3A_1688 = arith.select %lt3A_1687, %reduce_min3A_1686, %select_n3A_1558 : vector<128xi1>, vector<128xf32>
    %convert_element_type3A_1689 = arith.fptosi %select_n3A_1688 : vector<128xf32> to vector<128xi32>
    %swap3A_1690 = arith.constant 384 : index
    %swap3A_1691 = vector.load %arg5[%swap3A_1690] : memref<512xi32, #tpu.memory_space<vmem>>, vector<128xi32>
    tpu.vector_store %arg5[%swap3A_1690], %convert_element_type3A_1689 {strides = array<i32>} : memref<512xi32, #tpu.memory_space<vmem>>, vector<128xi32>,
    return
  }
  func.func @transform_0(%arg0: i32) -> (i32, i32) {
    %c0_i32 = arith.constant 0 : i32
    %c0_i32_0 = arith.constant 0 : i32
    return %arg0, %c0_i32 : i32, i32
  }
  func.func @transform_1(%arg0: i32) -> i32 {
    %c0_i32 = arith.constant 0 : i32
    return %arg0 : i32
  }
  func.func @transform_2(%arg0: i32) -> (i32, i32) {
    %c0_i32 = arith.constant 0 : i32
    %c0_i32_0 = arith.constant 0 : i32
    %c0_i32_1 = arith.constant 0 : i32
    return %c0_i32, %c0_i32_0 : i32, i32
  }
  func.func @transform_3(%arg0: i32) -> i32 {
    %c0_i32 = arith.constant 0 : i32
    %c0_i32_0 = arith.constant 0 : i32
    return %c0_i32 : i32
  }
  func.func @transform_4(%arg0: i32) -> i32 {
    %c0_i32 = arith.constant 0 : i32
    return %arg0 : i32
  }
}

</mosaic_0001>

<sc_bundles>
// kernel: kernel.4.cloned.1.call-start
scs
__scs_entry_jumppad:
0x0: {  	(pc) =	sbr.rel $0x88, $3  }
0x1: {  	(tag) =	ssettag $0x0;
	lr =	simm.s32 $0x1  }
0x2: {  	[smem:$0x3F9F] =	sst lr;
	_ =	strace $0xD0000000  }
0x3: {  	_ = 	snop  }
0x4: {  	_ = 	snop  }
0x5: {  	_ = 	snop  }
0x6: {  	_ = 	snop  }
0x7: {  	_ = 	snop  }
__scs_overlays_trampoline_lowered:
0x8: {  	[smem:$0x3FAE] =	sst s0  }
0x9: {  	[smem:$0x3FAF] =	sst s1  }
0xa: {  	[smem:$0x3FB0] =	sst s2  }
0xb: {  	[smem:$0x3FB1] =	sst s3  }
0xc: {  	[smem:$0x3FB2] =	sst s4  }
0xd: {  	[smem:$0x3FB3] =	sst s5  }
0xe: {  	[smem:$0x3FB4] =	sst s6  }
0xf: {  	[smem:$0x3FB5] =	sst s7  }
0x10: {  	[smem:$0x3FB6] =	sst s8  }
0x11: {  	[smem:$0x3FB7] =	sst s9;
	s0 =	simm.s32 @!p0 $0x0  }
0x12: {  	s1 =	sld [smem:$0x3F9D];
	s0 =	simm.s32 @p0 $0x1  }
0x13: {  	[smem:$0x3FB8] =	sst s0;
	s0 =	simm.s32 @!p1 $0x0  }
0x14: {  	s2 =	sld [smem:$0x3F9C];
	s0 =	simm.s32 @p1 $0x1  }
0x15: {  	[smem:$0x3FB9] =	sst s0;
	s0 =	simm.s32 @!p2 $0x0  }
0x16: {  	s3 =	sld [smem:$0x3FDB];
	s0 =	simm.s32 @p2 $0x1  }
0x17: {  	s4 =	simm.s32 $0x1BF5;
	[smem:$0x3FBB] =	sst s0  }
0x18: {  	s0 =	sld [smem:$0x3F9E];
	_ =	swait.ge [sflag:s4], $0x0  }
0x19: {  	s7 =	sld [smem:$0x3F9F]  }
0x1a: {  	s8 =	sadd.s32 $0xFFFFE003, lr  }
0x1b: {  	s9 =	sadd.s32 $0xFFFFFEF7, lr;
	s5 =	simm.s32 $0xFFFFFFFF;
	p2 =	slt.u32 s8, $0xFFFFF086  }
0x1c: {  	p1 =	slt.u32 s9, $0xF7A;
	s5 =	simm.s32 @!p2 $0x0  }
0x1d: {  	s5 =	simm.s32 @p1 $0x1;
	p0 =	seq.s32 s7, s2  }
0x1e: {  	s7 =	smul.u32 @!p0 $0xF7A, s2;
	p2 =	seq.s32 @!p0 s5, $0x0  }
0x1f: {  	s9 =	smul.u32 $0xF7A, s1;
	s8 =	simm.s32 @!p0 $0x1BF5;
	p2 =	por !p2, p0  }
0x20: {  	[sflag:s8] =	ssyncset.s32 @!p0 $0xFFFFF086;
	s6 =	sadd.s32 @!p0 s3, s7;
	s7 =	simm.s32 @!p0 $0x108  }
0x21: {  	s3 =	sadd.s32 s3, s9;
	s6 =	sadd.s32 @!p0 $0x88, s6;
	s7 =	simm.s32 @p2 $0x1082  }
0x22: {  	[simem:s7], [sflag:s8] =	dma.local @!p0 [hbm:s6], $0xF7A  }
0x23: {  	s9 =	sor.u32 $0xD0000000, s2;
	s6 =	simm.s32 $0x108;
	_ =	swait.ge @!p0 [sflag:s8], $0x0  }
0x24: {  	s3 =	sadd.s32 $0x88, s3;
	s6 =	simm.s32 @!p1 $0x1082;
	[sflag:s4] =	ssyncset.s32 $0xFFFFF086  }
0x25: {  	[simem:s6], [sflag:s4] =	dma.local [hbm:s3], $0xF7A  }
0x26: {  	[smem:$0x3F9F] =	sst s1;
	(tag) =	ssettag s2;
	_ =	strace s9  }
0x27: {  	s1 =	sld [smem:$0x3FAF]  }
0x28: {  	s2 =	sld [smem:$0x3FB0]  }
0x29: {  	s4 =	sld [smem:$0x3FB2]  }
0x2a: {  	p0 =	seq.s32 s5, $0x0;
	s5 =	sld [smem:$0x3FB3]  }
0x2b: {  	s6 =	sld [smem:$0x3FB4]  }
0x2c: {  	s7 =	sld [smem:$0x3FB5]  }
0x2d: {  	s3 =	simm.s32 $0x108;
	s8 =	sld [smem:$0x3FB6]  }
0x2e: {  	s3 =	simm.s32 @!p0 $0x1082;
	s9 =	sld [smem:$0x3FB7]  }
0x2f: {  	lr =	sadd.s32 s0, s3;
	s0 =	sld [smem:$0x3FAE]  }
0x30: {  	s3 =	sld [smem:$0x3FB1]  }
0x31: {  	[smem:$0x3FBA] =	sst s10  }
0x32: {  	s10 =	sld [smem:$0x3FB8];
	_ =	sdelay $0x3  }
0x33: {  	p0 =	seq.s32 s10, $0x1;
	s10 =	sld [smem:$0x3FBA];
	_ =	sdelay $0x3  }
0x34: {  	[smem:$0x3FBA] =	sst s10  }
0x35: {  	s10 =	sld [smem:$0x3FB9];
	_ =	sdelay $0x3  }
0x36: {  	p1 =	seq.s32 s10, $0x1;
	s10 =	sld [smem:$0x3FBA];
	_ =	sdelay $0x3  }
0x37: {  	[smem:$0x3FBA] =	sst s10  }
0x38: {  	s10 =	sld [smem:$0x3FBB]  }
0x39: {  	_ = 	snop;
	(pc) =	sbr.ind lr, $3  }
0x3a: {  	_ = 	snop  }
0x3b: {  	_ = 	snop  }
0x3c: {  	p2 =	seq.s32 s10, $0x1;
	s10 =	sld [smem:$0x3FBA]  }
0x3d: {  	_ =	shalt  }
0x3e: {  	_ =	shalt  }
0x3f: {  	_ =	shalt  }
0x40: {  	_ =	shalt  }
0x41: {  	_ =	shalt  }
0x42: {  	_ =	shalt  }
0x43: {  	_ =	shalt  }
0x44: {  	_ =	shalt  }
0x45: {  	_ =	shalt  }
0x46: {  	_ =	shalt  }
0x47: {  	_ =	shalt  }
0x48: {  	_ =	shalt  }
0x49: {  	_ =	shalt  }
0x4a: {  	_ =	shalt  }
0x4b: {  	_ =	shalt  }
0x4c: {  	_ =	shalt  }
0x4d: {  	_ =	shalt  }
0x4e: {  	_ =	shalt  }
0x4f: {  	_ =	shalt  }
0x50: {  	_ =	shalt  }
0x51: {  	_ =	shalt  }
0x52: {  	_ =	shalt  }
0x53: {  	_ =	shalt  }
0x54: {  	_ =	shalt  }
0x55: {  	_ =	shalt  }
0x56: {  	_ =	shalt  }
0x57: {  	_ =	shalt  }
0x58: {  	_ =	shalt  }
0x59: {  	_ =	shalt  }
0x5a: {  	_ =	shalt  }
0x5b: {  	_ =	shalt  }
0x5c: {  	_ =	shalt  }
0x5d: {  	_ =	shalt  }
0x5e: {  	_ =	shalt  }
0x5f: {  	_ =	shalt  }
0x60: {  	_ =	shalt  }
0x61: {  	_ =	shalt  }
0x62: {  	_ =	shalt  }
0x63: {  	_ =	shalt  }
0x64: {  	_ =	shalt  }
0x65: {  	_ =	shalt  }
0x66: {  	_ =	shalt  }
0x67: {  	_ =	shalt  }
0x68: {  	_ =	shalt  }
0x69: {  	_ =	shalt  }
0x6a: {  	_ =	shalt  }
0x6b: {  	_ =	shalt  }
0x6c: {  	_ =	shalt  }
0x6d: {  	_ =	shalt  }
0x6e: {  	_ =	shalt  }
0x6f: {  	_ =	shalt  }
0x70: {  	_ =	shalt  }
0x71: {  	_ =	shalt  }
0x72: {  	_ =	shalt  }
0x73: {  	_ =	shalt  }
0x74: {  	_ =	shalt  }
0x75: {  	_ =	shalt  }
0x76: {  	_ =	shalt  }
0x77: {  	_ =	shalt  }
0x78: {  	_ =	shalt  }
0x79: {  	_ =	shalt  }
0x7a: {  	_ =	shalt  }
0x7b: {  	_ =	shalt  }
0x7c: {  	_ =	shalt  }
0x7d: {  	_ =	shalt  }
0x7e: {  	_ =	shalt  }
0x7f: {  	_ =	shalt  }
0x80: {  	_ =	shalt  }
0x81: {  	_ =	shalt  }
0x82: {  	_ =	shalt  }
0x83: {  	_ =	shalt  }
0x84: {  	_ =	shalt  }
0x85: {  	_ =	shalt  }
0x86: {  	_ =	shalt  }
0x87: {  	_ =	shalt  }
.Lfunc_end0:
.L_simem_size_0:
called_computation_lowered:
.L_overlay_start_0:
0x88: {  	s2 =	sld [smem:$0x3FD9]  }
0x89: {  	s3 =	sld [smem:$0x3FFE];
	_ =	sdelay $0x1  }
0x8a: {  	s1 =	srdreg.scid  }
0x8b: {  	s0 =	sand.u32 $0x1, s1  }
0x8c: {  	s14 =	sshll.u32 s0, $0xA;
	s2 =	sadd.s32 s3, s2  }
0x8d: {  	s2 =	sadd.s32 s2, s14  }
0x8e: {  	[smem:$0x3FC6] =	sst s2  }
0x8f: {  	_ = 	snop  }
0x90: {  	s2 =	sld [smem:$0x3FD0];
	_ =	sdelay $0x2  }
0x91: {  	s15 =	simm.s32 $0xA;
	s4 =	simm.s32 $0x10  }
0x92: {  	[smem:s4], [sflag:s15] =	dma.local [hbm:s2], $0x1  }
0x93: {  	_ =	swait.eq [sflag:s15], $0x1  }
0x94: {  	[sflag:s15] =	ssyncset.done $0x0  }
0x95: {  	s16 =	sld [smem:$0x10];
	[sflag:s15] =	ssyncadd.s32 $0xFFFFFFFF  }
0x96: {  	s17 =	sld [smem:$0x11];
	(tm) =	ssettm $0x1  }
0x97: {  	s18 =	sld [smem:$0x3FFB];
	_ =	sdelay $0x3  }
0x98: {  	_ =	strace s18  }
0x99: {  	s4 =	sld [smem:$0x3FFC];
	_ =	sdelay $0x3  }
0x9a: {  	_ =	strace s4  }
0x9b: {  	s4 =	sld [smem:$0x3FFD];
	_ =	sdelay $0x3  }
0x9c: {  	_ =	strace s4  }
0x9d: {  	_ =	strace $0x8FFFFFFF  }
0x9e: {  	s19 =	sld [smem:$0x3FDB];
	_ =	sdelay $0x1  }
0x9f: {  	s5 =	simm.s32 $_scs_section_size  }
0xa0: {  	s6 =	simm.s32 $_size__tile_overlayer_lowered;
	s7 =	simm.s32 $_tile_overlayer_lowered  }
0xa1: {  	s22 =	simm.s32 $0x1BFF;
	s21 =	sshll.u32 s7, $0x1;
	s4 =	sadd.s32 s5, s19  }
0xa2: {  	s8 =	simm.s32 $0x0;
	s20 =	sshll.u32 s6, $0x1;
	s6 =	sadd.s32 s21, s4  }
0xa3: {  	[timem:s8], [sflag:s22] =	dma.local [hbm:s6], s20  }
0xa4: {  	_ =	swait.ge [sflag:s22], s20  }
0xa5: {  	s5 =	ssub.s32 $0x0, s20;
	[sflag:s22] =	ssyncset.done $0x0  }
0xa6: {  	[sflag:s22] =	ssyncadd.s32 s5;
	_ =	sdelay $0x1  }
0xa7: {  	s23 =	simm.s32 $0x1B8B  }
0xa8: {  	_ =	swait.ge [sflag:s23], $0x1  }
0xa9: {  	[sflag:s23] =	ssyncset.done $0x0  }
0xaa: {  	s25 =	simm.s32 $0x1B8E;
	s24 =	sld [smem:$0x3FFE];
	[sflag:s23] =	ssyncadd.s32 $0xFFFFFFFF  }
0xab: {  	s26 =	simm.s32 $execute0_lowered;
	[smem:$0x3FD2] =	sst s25  }
0xac: {  	s6 =	sshll.u32 s26, $0x1;
	_ =	strace $0x80000046;
	[dreg:$0x1] =	wrdreg $0xFFFFFFFF  }
0xad: {  	s28 =	simm.s32 $_size_execute0_lowered;
	s4 =	sadd.s32 s4, s6;
	[dreg:$0x0] =	wrdreg $0x0  }
0xae: {  	s6 =	sshll.u32 s28, $0x1;
	[dreg:$0x2] =	wrdreg s4  }
0xaf: {  	[dreg:$0x3] =	wrdreg s6  }
0xb0: {  	[dreg:$0x4] =	wrdreg $0xC0  }
0xb1: {  	_ =	task [dreg:s8], $0x5FFFF  }
0xb2: {  	[dreg:$0x1] =	wrdreg $0xFFFFFFFF  }
0xb3: {  	[dreg:$0x0] =	wrdreg $0x60  }
0xb4: {  	[dreg:$0x2] =	wrdreg s24  }
0xb5: {  	[dreg:$0x3] =	wrdreg s17  }
0xb6: {  	[dreg:$0x4] =	wrdreg s16  }
0xb7: {  	[dreg:$0x5] =	wrdreg $0x9  }
0xb8: {  	_ =	task.clear_ibuf [dreg:s8], $0x6FFFF;
	_ =	strace $0x90000046  }
0xb9: {  	s29 =	simm.s32 $0x9;
	_ =	strace $0x80000048  }
0xba: {  	_ =	swait.ge [sflag:s29], $0x1  }
0xbb: {  	[sflag:s29] =	ssyncadd.s32 $0xFFFFFFFF  }
0xbc: {  	_ =	strace $0x90000048  }
0xbd: {  	_ =	sfence  }
0xbe: {  	s30 =	sld [smem:$0x0];
	_ =	sdelay $0x2  }
0xbf: {  	s31 =	sshll.u32 s1, $0xD;
	s1 =	sshrl.u32 s1, $0x2  }
0xc0: {  	s3 =	sand.u32 $0x4000, s31;
	s1 =	sadd.s32 s1, s30  }
0xc1: {  	s0 =	sor.u32 s3, s0;
	s1 =	sshll.u32 s1, $0x11  }
0xc2: {  	s0 =	sor.u32 s1, s0  }
0xc3: {  	s0 =	sadd.s32 $0x8F2B, s0  }
0xc4: {  	[sflag:s0] =	ssyncadd.remote.s32 $0x1  }
0xc5: {  	_ =	sfence.sel $0xFFFF  }
0xc6: {  	[dreg:$0x0] =	wrdreg $0xFFFFFFFF;
	(pc) =	sbr.abs _section_cstart, $3  }
0xc7: {  	[dreg:$0x1] =	wrdreg $0xFFFFFFFF  }
0xc8: {  	_ =	task.clear_ibuf [dreg:s8], $0x2FFFF;
	_ =	strace $0x9FFFFFFF  }
0xc9: {  	(tm) =	ssettm $0x7FFFFFFF  }
tec
execute0_lowered:
.L_overlay_start_1:
0x0: {  	(tag) =	ssettag $0x1  }
0x1: {  	s1 =	rddreg [dreg:$0x0];
	s2 =	srdreg.scid  }
0x2: {  	s4 =	rddreg [dreg:$0x1];
	s0 =	stileid.u32;
	s14 =	sand.u32 $0x1, s2  }
0x3: {  	s15 =	rddreg [dreg:$0x2];
	s5 =	sshll.u32 s0, $0xA;
	s6 =	sshll.u32 s14, $0x9  }
0x4: {  	s3 =	simm.s32 $0x0;
	s2 =	rddreg [dreg:$0x3];
	s16 =	sor.u32 s6, s5  }
0x5: {  	[smem:$0x7FF] =	sst s3;
	s5 =	sshrl.u32 s16, $0x3  }
0x6: {  	_ =	strace $0x80000047;
	s5 =	sadd.s32 s4, s5;
	s4 =	simm.s32 $0x2  }
0x7: {  	[tilespmem:s3], [sflag:$0x2] =	stream.linear.gather [hbm4b:s5+s3], $0x200, $0x38;
	[tilespmem:$0x8200] =	vst v63  }
0x8: {  	_ =	swait.ge [sflag:s4], $0x200  }
0x9: {  	[sflag:s4] =	ssyncset.done $0x0  }
0xa: {  	s7 =	simm.s32 $0x200;
	s6 =	simm.s32 $0x80;
	[sflag:s4] =	ssyncadd.s32 $0xFFFFFE00  }
0xb: {  	[tilespmem:s7], [sflag:$0x1] =	stream.indirect.gather [hbm4b:s1+s6], $0x40, s3, s6, $0xb8;
	[tilespmem:$0x8200] =	vst v63  }
0xc: {  	s8 =	simm.s32 $0x2200  }
0xd: {  	[tilespmem:s8], [sflag:$0x1] =	stream.indirect.gather [hbm4b:s1+s6], $0x40, s6, s6, $0xb8;
	[tilespmem:$0x8200] =	vst v63  }
0xe: {  	s9 =	simm.s32 $0x100;
	s10 =	simm.s32 $0x4200  }
0xf: {  	[tilespmem:s10], [sflag:$0x1] =	stream.indirect.gather [hbm4b:s1+s6], $0x40, s9, s6, $0xb8;
	[tilespmem:$0x8200] =	vst v63  }
0x10: {  	s11 =	simm.s32 $0x180;
	s12 =	simm.s32 $0x6200;
	s13 =	simm.s32 $0x1  }
0x11: {  	[tilespmem:s12], [sflag:$0x1] =	stream.indirect.gather [hbm4b:s1+s6], $0x40, s11, s6, $0xb8;
	[tilespmem:$0x8200] =	vst v63  }
0x12: {  	_ =	swait.ge [sflag:s13], $0x2000  }
0x13: {  	[sflag:s13] =	ssyncset.done $0x0  }
0x14: {  	[sflag:s13] =	ssyncadd.s32 $0xFFFFE000  }
0x15: {  	_ =	swait.ge [sflag:s13], $0x2000  }
0x16: {  	[sflag:s13] =	ssyncset.done $0x0  }
0x17: {  	s14 =	ssub.s32 $0x2, s14;
	[sflag:s13] =	ssyncadd.s32 $0xFFFFE000  }
0x18: {  	s17 =	sshrl.u32 s14, $0x1;
	_ =	swait.ge [sflag:s13], $0x2000  }
0x19: {  	s17 =	ssub.s32 s14, s17;
	[sflag:s13] =	ssyncset.done $0x0  }
0x1a: {  	s31 =	smax.u32 s17, $0x1;
	[sflag:s13] =	ssyncadd.s32 $0xFFFFE000  }
0x1b: {  	p0 =	sne.s32 s31, $0x1;
	_ =	swait.ge [sflag:s13], $0x2000  }
.Ltmp0:
0x1c: {  	s30 =	sshll.u32 s16, $0x3;
	[sflag:s13] =	ssyncset.done $0x0;
	(pc) =	sbr.rel @!p0 .LBB2_2-.Ltmp0, $4  }
0x1d: {  	s14 =	sadd.s32 s15, s30;
	[sflag:s13] =	ssyncadd.s32 $0xFFFFE000  }
0x1e: {  	[hbm4b:s14+s3] =	stream.linear.scatter [tilespmem:s7], [sflag:$0x2], $0x8000, $0x38;
	[tilespmem:$0x8200] =	vst v63  }
0x1f: {  	_ =	swait.ge [sflag:s4], $0x8000  }
0x20: {  	s15 =	sadd.s32 $0xFFFFFFFF, s31;
	[sflag:s4] =	ssyncset.done $0x0  }
.LBB2_1:
0x21: {  	p0 =	sne.s32 s15, $0x1;
	s15 =	sadd.s32 $0xFFFFFFFF, s15;
	[sflag:s4] =	ssyncadd.s32 $0xFFFF8000  }
0x22: {  	[tilespmem:s3], [sflag:$0x2] =	stream.linear.gather [hbm4b:s5+s3], $0x200, $0x38;
	[tilespmem:$0x8200] =	vst v63  }
0x23: {  	_ =	swait.ge [sflag:s4], $0x200  }
0x24: {  	[sflag:s4] =	ssyncset.done $0x0  }
0x25: {  	[sflag:s4] =	ssyncadd.s32 $0xFFFFFE00  }
0x26: {  	[tilespmem:s7], [sflag:$0x1] =	stream.indirect.gather [hbm4b:s1+s6], $0x40, s3, s6, $0xb8;
	[tilespmem:$0x8200] =	vst v63  }
0x27: {  	_ = 	snop  }
0x28: {  	[tilespmem:s8], [sflag:$0x1] =	stream.indirect.gather [hbm4b:s1+s6], $0x40, s6, s6, $0xb8;
	[tilespmem:$0x8200] =	vst v63  }
0x29: {  	_ = 	snop  }
0x2a: {  	[tilespmem:s10], [sflag:$0x1] =	stream.indirect.gather [hbm4b:s1+s6], $0x40, s9, s6, $0xb8;
	[tilespmem:$0x8200] =	vst v63  }
0x2b: {  	_ = 	snop  }
0x2c: {  	[tilespmem:s12], [sflag:$0x1] =	stream.indirect.gather [hbm4b:s1+s6], $0x40, s11, s6, $0xb8;
	[tilespmem:$0x8200] =	vst v63  }
0x2d: {  	_ =	swait.ge [sflag:s13], $0x2000  }
0x2e: {  	[sflag:s13] =	ssyncset.done $0x0  }
0x2f: {  	[sflag:s13] =	ssyncadd.s32 $0xFFFFE000  }
0x30: {  	_ =	swait.ge [sflag:s13], $0x2000  }
0x31: {  	[sflag:s13] =	ssyncset.done $0x0  }
0x32: {  	[sflag:s13] =	ssyncadd.s32 $0xFFFFE000  }
0x33: {  	_ =	swait.ge [sflag:s13], $0x2000  }
0x34: {  	[sflag:s13] =	ssyncset.done $0x0  }
0x35: {  	[sflag:s13] =	ssyncadd.s32 $0xFFFFE000  }
0x36: {  	_ =	swait.ge [sflag:s13], $0x2000  }
.Ltmp1:
0x37: {  	[sflag:s13] =	ssyncset.done $0x0;
	(pc) =	sbr.rel @p0 .LBB2_1-.Ltmp1, $4  }
0x38: {  	[sflag:s13] =	ssyncadd.s32 $0xFFFFE000  }
0x39: {  	[hbm4b:s14+s3] =	stream.linear.scatter [tilespmem:s7], [sflag:$0x2], $0x8000, $0x38;
	[tilespmem:$0x8200] =	vst v63  }
0x3a: {  	_ =	swait.ge [sflag:s4], $0x8000  }
0x3b: {  	[sflag:s4] =	ssyncset.done $0x0  }
.LBB2_2:
0x3c: {  	[sflag:s4] =	ssyncadd.s32 $0xFFFF8000  }
0x3d: {  	_ =	sfence.sel $0x180000  }
0x3e: {  	[bflag:$0x0] =	sbarrier.arrive $0xFFFF  }
0x3f: {  	p0 =	sne.s32 s0, $0x0;
	_ =	strace $0x90000047  }
0x40: {  	s0 =	sadd.s32 @!p0 $0x100000, s2;
	[bflag:$0x2] =	sbarrier.arrive $0xFFFF  }
0x41: {  	[sflag:s0] =	ssyncadd.tile.s32 @!p0 $0x1;
	_ =	shalt  }
.Lfunc_end2:
_tile_overlayer_lowered:
.L_overlay_start_2:
0x42: {  	(tag) =	ssettag $0x2  }
0x43: {  	s0 =	rddreg [dreg:$0x0];
	s2 =	stileid.u32  }
0x44: {  	s1 =	rddreg [dreg:$0x1];
	p0 =	sne.s32 s2, $0x0  }
0x45: {  	s3 =	rddreg [dreg:$0x2];
	[bflag:$0x3] =	sbarrier.arrive $0xFFFF;
	s2 =	simm.s32 @!p0 $0x1C02  }
0x46: {  	[timem:s3], [sflag:s2] =	dma.local @!p0 [hbm:s0], s1  }
0x47: {  	s0 =	simm.s32 @!p0 $0x2  }
0x48: {  	_ =	swait.ge @!p0 [sflag:s0], s1  }
0x49: {  	s1 =	ssub.s32 @!p0 $0x0, s1;
	[sflag:s0] =	ssyncset.done @!p0 $0x0  }
0x4a: {  	[sflag:s0] =	ssyncadd.s32 @!p0 s1  }
0x4b: {  	[bflag:$0x3] =	sbarrier.arrive $0xFFFF  }
0x4c: {  	_ =	shalt  }

</sc_bundles>
